<compile_context>
chip_gen: v7x
topology: tpu7x:2x2x1
jax: 0.10.2.dev20260603
libtpu: 0.0.44.dev20260713+nightly
codegen_flags: <defaults>
</compile_context>

<pallas_src>
import functools

import jax
import jax.numpy as jnp
from jax.experimental import pallas as pl
from jax.experimental.pallas import tpu as pltpu
from jax.experimental.pallas import tpu_sc as plsc

_BB = 32
_WIN = 256
_B_TC = 0


def _tab_kernel(ce_ref, pos_ref, gam_ref, bet_ref, tab_ref):
    ce = ce_ref[...]
    pos = pos_ref[...]
    x = pos[:, None, :] + ce[None, :, :]
    mu = jnp.mean(x, axis=-1, keepdims=True)
    xc = x - mu
    var = jnp.mean(xc * xc, axis=-1, keepdims=True)
    xn = xc * jax.lax.rsqrt(var + 1e-5)
    tab_ref[...] = xn * gam_ref[0][None, None, :] + bet_ref[0][None, None, :]


def _select_kernel(g_ref, tab_ref, out_ref, *, num_colors):
    g = g_ref[...]
    gexp = jnp.repeat(g, 64, axis=1)
    tab = tab_ref[...]
    acc = jnp.broadcast_to(tab[0:1, :], gexp.shape)
    for c in range(1, num_colors):
        acc = jnp.where(gexp == c, jnp.broadcast_to(tab[c:c + 1, :], gexp.shape), acc)
    out_ref[...] = acc


def _sc_gather_call(tabp, idx_flat, n_rows, d2):
    mesh = plsc.VectorSubcoreMesh(core_axis_name="c", subcore_axis_name="s")

    n_b, n_q = n_rows
    @pl.kernel(
        out_type=jax.ShapeDtypeStruct((n_b, n_q, d2), jnp.float32), mesh=mesh
    )
    def k(tab_hbm, i_hbm, o_hbm):
        def body(i_vmem, o_vmem):
            pltpu.sync_copy(tab_hbm.at[i_vmem.at[0]], o_vmem.at[0])

        pltpu.emit_pipeline(
            body,
            grid=(n_b * n_q // _WIN,),
            in_specs=[pl.BlockSpec((1, _WIN), lambda i: (0, i))],
            out_specs=[pl.BlockSpec((1, _WIN, d2),
                                    lambda i: (i // (n_q // _WIN), i % (n_q // _WIN), 0))],
            core_axis_name=("c", "s"),
            dimension_semantics=(pltpu.PARALLEL,),
        )(i_hbm, o_hbm)

    return k(tabp, idx_flat)


def kernel(grid, color_embed, pos_embed, gamma, beta):
    B, H, W = grid.shape
    P = H * W
    C, D = color_embed.shape
    Q = P // 2
    b_tc = min(_B_TC, B)
    b_sc = B - b_tc

    posf = pos_embed[0, :H, :W, :].reshape(P, D)

    tab = pl.pallas_call(
        _tab_kernel,
        out_shape=jax.ShapeDtypeStruct((P, C, D), jnp.float32),
    )(color_embed, posf, gamma.reshape(1, D), beta.reshape(1, D))

    g2 = grid.reshape(B, P)
    outs = []

    if b_tc:
        tabf = tab.transpose(1, 0, 2).reshape(C, P * D)
        out_tc = pl.pallas_call(
            functools.partial(_select_kernel, num_colors=C),
            grid=(b_tc // _BB,),
            in_specs=[
                pl.BlockSpec((_BB, P), lambda i: (i, 0)),
                pl.BlockSpec((C, P * D), lambda i: (0, 0)),
            ],
            out_specs=pl.BlockSpec((_BB, P * D), lambda i: (i, 0)),
            out_shape=jax.ShapeDtypeStruct((b_tc, P * D), jnp.float32),
        )(g2[:b_tc], tabf)
        outs.append(out_tc.reshape(b_tc, P, D))

    if b_sc:
        tabe = tab[0::2]
        tabo = tab[1::2]
        tabp = jnp.concatenate(
            [
                jnp.broadcast_to(tabe[:, :, None, :], (Q, C, C, D)),
                jnp.broadcast_to(tabo[:, None, :, :], (Q, C, C, D)),
            ],
            axis=-1,
        ).reshape(Q * C * C, 2 * D)

        gt = g2[b_tc:]
        qbase = (C * C) * jnp.arange(Q, dtype=jnp.int32)[None, :]
        idx = qbase + C * gt[:, 0::2] + gt[:, 1::2]
        idx_flat = idx.reshape(1, b_sc * Q)

        out_sc = _sc_gather_call(tabp, idx_flat, (b_sc, Q), 2 * D)
        outs.append(out_sc.reshape(b_sc, P, D))

    if len(outs) == 1:
        return outs[0]
    return jnp.concatenate(outs, axis=0)

# --- scband reference (transcript-rebuilt; emitter-appended) ---
"""Pipeline reference for scband-pixel-encoder-38594576122412 (READ-ONLY COPY).

The authoritative reference and input builder live on the scoring server;
editing this copy changes nothing except your own understanding.
"""

import jax, jax.numpy as jnp
import numpy as np

B, H, W = 4096, 30, 30
NUM_COLORS, HIDDEN, MAX_SIZE = 10, 64, 30

def setup_inputs(seed: int = 0) -> dict:
    key = jax.random.key(seed)
    k1, k2, k3, k4 = jax.random.split(key, 4)
    grid = jax.random.randint(k1, (B, H, W), 0, NUM_COLORS, dtype=jnp.int32)
    color_embed = jax.random.normal(k2, (NUM_COLORS, HIDDEN), dtype=jnp.float32)
    pos_embed = jax.random.normal(k3, (1, MAX_SIZE, MAX_SIZE, HIDDEN), dtype=jnp.float32) * 0.02
    gamma = jnp.ones((HIDDEN,), dtype=jnp.float32)
    beta = jnp.zeros((HIDDEN,), dtype=jnp.float32)
    return {"grid": grid, "color_embed": color_embed, "pos_embed": pos_embed, "gamma": gamma, "beta": beta}

def reference(grid, color_embed, pos_embed, gamma, beta):
    b, h, w = grid.shape
    x = jnp.take(color_embed, grid, axis=0) + pos_embed[:, :h, :w, :]
    x = x.reshape(b, h * w, HIDDEN)
    mean = jnp.mean(x, axis=-1, keepdims=True)
    var = jnp.mean((x - mean) ** 2, axis=-1, keepdims=True)
    xn = (x - mean) / jnp.sqrt(var + 1e-5)
    return xn * gamma + beta

if __name__ == "__main__":
    import jax
    _d = setup_inputs()
    print(jax.jit(kernel)(*tuple(_d.values())))

</pallas_src>

<mosaic_0001>
#map = affine_map<(d0, d1) -> (0, 0)>
#map1 = affine_map<(d0, d1) -> (0, 0, 0)>
module attributes {stable_mosaic.version = 14 : i64} {
  func.func @k(%arg0: i32, %arg1: i32, %arg2: memref<45000x128xf32, #tpu.memory_space<hbm>>, %arg3: memref<1x1843200xi32, #tpu.memory_space<hbm>>, %arg4: memref<4096x450x128xf32, #tpu.memory_space<hbm>>) attributes {dimension_semantics = [#tpu.dimension_semantics<core_parallel>, #tpu.dimension_semantics<subcore_parallel>], iteration_bounds = array<i64: 2, 16>, scalar_prefetch = 0 : i64, scratch_operands = 0 : i64, tpu.core_type = #tpu.core_type<sc_vector_subcore>, window_params = [{transform_indices = #map}, {transform_indices = #map}, {transform_indices = #map1}]} {
    %mul3A = arith.constant 1 : i32
    %mul3A_0 = arith.muli %arg1, %mul3A : i32
    %add3A = arith.constant 0 : i32
    %add3A_1 = arith.addi %add3A, %mul3A_0 : i32
    %mul3A_2 = arith.constant 16 : i32
    %mul3A_3 = arith.muli %arg0, %mul3A_2 : i32
    %add3A_4 = arith.addi %add3A_1, %mul3A_3 : i32
    %mul3A_5 = arith.constant 225 : i32
    %mul3A_6 = arith.muli %add3A_4, %mul3A_5 : i32
    "tpu.region"() ({
      %run_scoped3A = memref.alloca() : memref<2x1x256xi32, #tpu.memory_space<vmem>>
      %run_scoped3A_7 = tpu.sem_alloc : memref<2x!tpu.dma_semaphore, #tpu.memory_space<semaphore_mem>>
      %run_scoped3A_8 = memref.alloca() : memref<2x1x256x128xf32, #tpu.memory_space<vmem>>
      %run_scoped3A_9 = tpu.sem_alloc : memref<2x!tpu.dma_semaphore, #tpu.memory_space<semaphore_mem>>
      %add3A_10 = arith.constant 0 : i32
      %add3A_11 = arith.addi %add3A_10, %mul3A_6 : i32
      %select_n3A = arith.constant true
      %select_n3A_12 = arith.constant 0 : i32
      %select_n3A_13 = arith.constant -1 : i32
      %select_n3A_14 = arith.select %select_n3A, %select_n3A_13, %select_n3A_12 : i32
      %eq3A = arith.constant -1 : i32
      %eq3A_15 = arith.cmpi eq, %select_n3A_14, %eq3A : i32
      %select_n3A_16 = arith.constant 224 : i32
      %select_n3A_17 = arith.select %eq3A_15, %select_n3A_16, %select_n3A_14 : i32
      %add3A_18 = arith.addi %select_n3A_17, %mul3A_6 : i32
      %select_n3A_19 = arith.constant true
      %select_n3A_20 = arith.constant 0 : i32
      %select_n3A_21 = arith.constant 1 : i32
      %select_n3A_22 = arith.select %select_n3A_19, %select_n3A_21, %select_n3A_20 : i32
      %eq3A_23 = arith.constant 225 : i32
      %eq3A_24 = arith.cmpi eq, %select_n3A_22, %eq3A_23 : i32
      %select_n3A_25 = arith.constant 0 : i32
      %select_n3A_26 = arith.select %eq3A_24, %select_n3A_25, %select_n3A_22 : i32
      %add3A_27 = arith.addi %select_n3A_26, %mul3A_6 : i32
      %add3A_28 = arith.constant 1 : i32
      %add3A_29 = arith.addi %select_n3A_26, %add3A_28 : i32
      %select_n3A_30 = arith.constant true
      %select_n3A_31 = arith.select %select_n3A_30, %add3A_29, %select_n3A_26 : i32
      %eq3A_32 = arith.constant 225 : i32
      %eq3A_33 = arith.cmpi eq, %select_n3A_31, %eq3A_32 : i32
      %select_n3A_34 = arith.constant 0 : i32
      %select_n3A_35 = arith.select %eq3A_33, %select_n3A_34, %select_n3A_31 : i32
      %add3A_36 = arith.addi %select_n3A_35, %mul3A_6 : i32
      "tpu.trace_start"() <{level = 10 : i32, message = "ep_initialize_0"}> : () -> ()
      %rem3A = arith.constant 0 : i32
      %rem3A_37 = arith.constant 2 : i32
      %rem3A_38 = arith.remui %rem3A, %rem3A_37 : i32
      %mul3A_39 = arith.constant 256 : i32
      %mul3A_40 = arith.muli %mul3A_39, %add3A_11 : i32
      %dma_start3A = arith.constant 0 : i32
      %dma_start3A_41 = arith.constant 0 : i32
      %dma_start3A_42 = tpu.memref_slice %run_scoped3A[%rem3A_38, %dma_start3A, %dma_start3A_41] : memref<2x1x256xi32, #tpu.memory_space<vmem>> -> memref<1x1x256xi32, #tpu.memory_space<vmem>>
      %dma_start3A_43 = tpu.memref_squeeze %dma_start3A_42 : memref<1x1x256xi32, #tpu.memory_space<vmem>> -> memref<1x256xi32, #tpu.memory_space<vmem>>
      %dma_start3A_44 = arith.constant 0 : i32
      %dma_start3A_45 = tpu.memref_slice %arg3[%dma_start3A_44, %mul3A_40] : memref<1x1843200xi32, #tpu.memory_space<hbm>> -> memref<1x256xi32, #tpu.memory_space<hbm>>
      %dma_start3A_46 = tpu.memref_slice %run_scoped3A_7[%rem3A_38] : memref<2x!tpu.dma_semaphore, #tpu.memory_space<semaphore_mem>> -> memref<1x!tpu.dma_semaphore, #tpu.memory_space<semaphore_mem>>
      %dma_start3A_47 = tpu.memref_squeeze %dma_start3A_46 : memref<1x!tpu.dma_semaphore, #tpu.memory_space<semaphore_mem>> -> memref<!tpu.dma_semaphore, #tpu.memory_space<semaphore_mem>>
      %dma_start3A_48 = arith.constant 0 : i32
      %dma_start3A_49 = arith.constant 0 : i32
      %dma_start3A_50 = tpu.memref_slice %run_scoped3A[%rem3A_38, %dma_start3A_48, %dma_start3A_49] : memref<2x1x256xi32, #tpu.memory_space<vmem>> -> memref<1x1x256xi32, #tpu.memory_space<vmem>>
      %dma_start3A_51 = tpu.memref_squeeze %dma_start3A_50 : memref<1x1x256xi32, #tpu.memory_space<vmem>> -> memref<1x256xi32, #tpu.memory_space<vmem>>
      %dma_start3A_52 = arith.constant 0 : i32
      %dma_start3A_53 = tpu.memref_slice %arg3[%dma_start3A_52, %mul3A_40] : memref<1x1843200xi32, #tpu.memory_space<hbm>> -> memref<1x256xi32, #tpu.memory_space<hbm>>
      tpu.enqueue_dma source(%dma_start3A_53 : memref<1x256xi32, #tpu.memory_space<hbm>>) target(%dma_start3A_51 : memref<1x256xi32, #tpu.memory_space<vmem>>) target_semaphore(%dma_start3A_47 : memref<!tpu.dma_semaphore, #tpu.memory_space<semaphore_mem>>)
      %add3A_54 = arith.constant 0 : i32
      %add3A_55 = arith.constant 1 : i32
      %add3A_56 = arith.addi %add3A_54, %add3A_55 : i32
      %select_n3A_57 = arith.constant true
      %select_n3A_58 = arith.constant 0 : i32
      %select_n3A_59 = arith.select %select_n3A_57, %add3A_56, %select_n3A_58 : i32
      "tpu.trace_stop"() : () -> ()
      %scan3A = arith.constant 0 : i32
      %scan3A_60 = arith.constant 0 : i32
      %scan3A_61 = arith.constant 0 : i32
      %scan3A_62 = arith.constant 0 : i32
      %scan3A_63 = arith.constant 0 : i32
      %scan3A_64 = arith.constant 225 : i32
      %scan3A_65 = arith.addi %scan3A_63, %scan3A_64 : i32
      %scan3A_66 = arith.constant 1 : i32
      %scan3A_67:5 = scf.for %scan3A_166 = %scan3A_63 to %scan3A_65 step %scan3A_66 iter_args(%scan3A_167 = %select_n3A_59, %scan3A_168 = %scan3A, %scan3A_169 = %scan3A_60, %scan3A_170 = %scan3A_61, %scan3A_171 = %scan3A_62) -> (i32, i32, i32, i32, i32)  : i32 {
        %eq3A_172 = arith.constant 0 : i32
        %eq3A_173 = arith.cmpi eq, %scan3A_166, %eq3A_172 : i32
        %eq3A_174 = arith.constant 224 : i32
        %eq3A_175 = arith.cmpi eq, %scan3A_166, %eq3A_174 : i32
        %add3A_176 = arith.addi %scan3A_171, %mul3A_6 : i32
        %sub3A_177 = arith.constant 1 : i32
        %sub3A_178 = arith.subi %scan3A_171, %sub3A_177 : i32
        %select_n3A_179 = arith.constant true
        %select_n3A_180 = arith.select %select_n3A_179, %sub3A_178, %scan3A_171 : i32
        %eq3A_181 = arith.constant -1 : i32
        %eq3A_182 = arith.cmpi eq, %select_n3A_180, %eq3A_181 : i32
        %select_n3A_183 = arith.constant 224 : i32
        %select_n3A_184 = arith.select %eq3A_182, %select_n3A_183, %select_n3A_180 : i32
        %add3A_185 = arith.addi %select_n3A_184, %mul3A_6 : i32
        %add3A_186 = arith.constant 1 : i32
        %add3A_187 = arith.addi %scan3A_171, %add3A_186 : i32
        %select_n3A_188 = arith.constant true
        %select_n3A_189 = arith.select %select_n3A_188, %add3A_187, %scan3A_171 : i32
        %eq3A_190 = arith.constant 225 : i32
        %eq3A_191 = arith.cmpi eq, %select_n3A_189, %eq3A_190 : i32
        %select_n3A_192 = arith.constant 0 : i32
        %select_n3A_193 = arith.select %eq3A_191, %select_n3A_192, %select_n3A_189 : i32
        %add3A_194 = arith.addi %select_n3A_193, %mul3A_6 : i32
        %add3A_195 = arith.constant 1 : i32
        %add3A_196 = arith.addi %select_n3A_193, %add3A_195 : i32
        %select_n3A_197 = arith.constant true
        %select_n3A_198 = arith.select %select_n3A_197, %add3A_196, %select_n3A_193 : i32
        %eq3A_199 = arith.constant 225 : i32
        %eq3A_200 = arith.cmpi eq, %select_n3A_198, %eq3A_199 : i32
        %select_n3A_201 = arith.constant 0 : i32
        %select_n3A_202 = arith.select %eq3A_200, %select_n3A_201, %select_n3A_198 : i32
        %add3A_203 = arith.addi %select_n3A_202, %mul3A_6 : i32
        %ne3A_204 = arith.cmpi ne, %add3A_176, %add3A_194 : i32
        %or3A = arith.constant false
        %or3A_205 = arith.ori %or3A, %ne3A_204 : i1
        %ge3A = arith.constant 224 : i32
        %ge3A_206 = arith.cmpi sge, %scan3A_166, %ge3A : i32
        %not3A = arith.constant true
        %not3A_207 = arith.xori %ge3A_206, %not3A : i1
        %and3A_208 = arith.andi %or3A_205, %not3A_207 : i1
        %convert_element_type3A = arith.extui %and3A_208 : i1 to i32
        %cond3A = arith.constant 0 : i32
        %cond3A_209 = arith.cmpi ne, %convert_element_type3A, %cond3A : i32
        scf.if %cond3A_209 {
          "tpu.trace_start"() <{level = 10 : i32, message = "ep_copy_in"}> : () -> ()
          %rem3A_640 = arith.constant 2 : i32
          %rem3A_641 = arith.remui %scan3A_167, %rem3A_640 : i32
          %mul3A_642 = arith.constant 256 : i32
          %mul3A_643 = arith.muli %mul3A_642, %add3A_194 : i32
          %dma_start3A_644 = arith.constant 0 : i32
          %dma_start3A_645 = arith.constant 0 : i32
          %dma_start3A_646 = tpu.memref_slice %run_scoped3A[%rem3A_641, %dma_start3A_644, %dma_start3A_645] : memref<2x1x256xi32, #tpu.memory_space<vmem>> -> memref<1x1x256xi32, #tpu.memory_space<vmem>>
          %dma_start3A_647 = tpu.memref_squeeze %dma_start3A_646 : memref<1x1x256xi32, #tpu.memory_space<vmem>> -> memref<1x256xi32, #tpu.memory_space<vmem>>
          %dma_start3A_648 = arith.constant 0 : i32
          %dma_start3A_649 = tpu.memref_slice %arg3[%dma_start3A_648, %mul3A_643] : memref<1x1843200xi32, #tpu.memory_space<hbm>> -> memref<1x256xi32, #tpu.memory_space<hbm>>
          %dma_start3A_650 = tpu.memref_slice %run_scoped3A_7[%rem3A_641] : memref<2x!tpu.dma_semaphore, #tpu.memory_space<semaphore_mem>> -> memref<1x!tpu.dma_semaphore, #tpu.memory_space<semaphore_mem>>
          %dma_start3A_651 = tpu.memref_squeeze %dma_start3A_650 : memref<1x!tpu.dma_semaphore, #tpu.memory_space<semaphore_mem>> -> memref<!tpu.dma_semaphore, #tpu.memory_space<semaphore_mem>>
          %dma_start3A_652 = arith.constant 0 : i32
          %dma_start3A_653 = arith.constant 0 : i32
          %dma_start3A_654 = tpu.memref_slice %run_scoped3A[%rem3A_641, %dma_start3A_652, %dma_start3A_653] : memref<2x1x256xi32, #tpu.memory_space<vmem>> -> memref<1x1x256xi32, #tpu.memory_space<vmem>>
          %dma_start3A_655 = tpu.memref_squeeze %dma_start3A_654 : memref<1x1x256xi32, #tpu.memory_space<vmem>> -> memref<1x256xi32, #tpu.memory_space<vmem>>
          %dma_start3A_656 = arith.constant 0 : i32
          %dma_start3A_657 = tpu.memref_slice %arg3[%dma_start3A_656, %mul3A_643] : memref<1x1843200xi32, #tpu.memory_space<hbm>> -> memref<1x256xi32, #tpu.memory_space<hbm>>
          tpu.enqueue_dma source(%dma_start3A_657 : memref<1x256xi32, #tpu.memory_space<hbm>>) target(%dma_start3A_655 : memref<1x256xi32, #tpu.memory_space<vmem>>) target_semaphore(%dma_start3A_651 : memref<!tpu.dma_semaphore, #tpu.memory_space<semaphore_mem>>)
          "tpu.trace_stop"() : () -> ()
        } else {
        }
        %and3A_210 = arith.constant true
        %and3A_211 = arith.andi %and3A_208, %and3A_210 : i1
        %add3A_212 = arith.constant 1 : i32
        %add3A_213 = arith.addi %scan3A_167, %add3A_212 : i32
        %select_n3A_214 = arith.select %and3A_211, %add3A_213, %scan3A_167 : i32
        %jit3A_215 = arith.constant 1 : i32
        %div3A_216 = arith.divsi %add3A_176, %jit3A_215 : i32
        %sign3A_217 = arith.constant 0 : i32
        %sign3A_218 = arith.cmpi sgt, %add3A_176, %sign3A_217 : i32
        %sign3A_219 = arith.extui %sign3A_218 : i1 to i32
        %sign3A_220 = arith.constant 0 : i32
        %sign3A_221 = arith.cmpi slt, %add3A_176, %sign3A_220 : i32
        %sign3A_222 = arith.extui %sign3A_221 : i1 to i32
        %sign3A_223 = arith.subi %sign3A_219, %sign3A_222 : i32
        %sign3A_224 = arith.constant 0 : i32
        %sign3A_225 = arith.cmpi sgt, %jit3A_215, %sign3A_224 : i32
        %sign3A_226 = arith.extui %sign3A_225 : i1 to i32
        %sign3A_227 = arith.constant 0 : i32
        %sign3A_228 = arith.cmpi slt, %jit3A_215, %sign3A_227 : i32
        %sign3A_229 = arith.extui %sign3A_228 : i1 to i32
        %sign3A_230 = arith.subi %sign3A_226, %sign3A_229 : i32
        %ne3A_231 = arith.cmpi ne, %sign3A_223, %sign3A_230 : i32
        %rem3A_232 = arith.remsi %add3A_176, %jit3A_215 : i32
        %ne3A_233 = arith.constant 0 : i32
        %ne3A_234 = arith.cmpi ne, %rem3A_232, %ne3A_233 : i32
        %and3A_235 = arith.andi %ne3A_231, %ne3A_234 : i1
        %sub3A_236 = arith.constant 1 : i32
        %sub3A_237 = arith.subi %div3A_216, %sub3A_236 : i32
        %select_n3A_238 = arith.select %and3A_235, %sub3A_237, %div3A_216 : i32
        %jit3A_239 = arith.constant 1 : i32
        %eq3A_240 = arith.constant 0 : i32
        %eq3A_241 = arith.cmpi eq, %jit3A_239, %eq3A_240 : i32
        %jit3A_242 = arith.constant 1 : i32
        %select_n3A_243 = arith.select %eq3A_241, %jit3A_242, %jit3A_239 : i32
        %rem3A_244 = arith.remsi %add3A_176, %select_n3A_243 : i32
        %ne3A_245 = arith.constant 0 : i32
        %ne3A_246 = arith.cmpi ne, %rem3A_244, %ne3A_245 : i32
        %lt3A_247 = arith.constant 0 : i32
        %lt3A_248 = arith.cmpi slt, %rem3A_244, %lt3A_247 : i32
        %lt3A_249 = arith.constant 0 : i32
        %lt3A_250 = arith.cmpi slt, %select_n3A_243, %lt3A_249 : i32
        %ne3A_251 = arith.xori %lt3A_248, %lt3A_250 : i1
        %and3A_252 = arith.andi %ne3A_251, %ne3A_246 : i1
        %add3A_253 = arith.addi %rem3A_244, %select_n3A_243 : i32
        %select_n3A_254 = arith.select %and3A_252, %add3A_253, %rem3A_244 : i32
        %jit3A_255 = arith.constant 1 : i32
        %div3A_256 = arith.divsi %add3A_194, %jit3A_255 : i32
        %sign3A_257 = arith.constant 0 : i32
        %sign3A_258 = arith.cmpi sgt, %add3A_194, %sign3A_257 : i32
        %sign3A_259 = arith.extui %sign3A_258 : i1 to i32
        %sign3A_260 = arith.constant 0 : i32
        %sign3A_261 = arith.cmpi slt, %add3A_194, %sign3A_260 : i32
        %sign3A_262 = arith.extui %sign3A_261 : i1 to i32
        %sign3A_263 = arith.subi %sign3A_259, %sign3A_262 : i32
        %sign3A_264 = arith.constant 0 : i32
        %sign3A_265 = arith.cmpi sgt, %jit3A_255, %sign3A_264 : i32
        %sign3A_266 = arith.extui %sign3A_265 : i1 to i32
        %sign3A_267 = arith.constant 0 : i32
        %sign3A_268 = arith.cmpi slt, %jit3A_255, %sign3A_267 : i32
        %sign3A_269 = arith.extui %sign3A_268 : i1 to i32
        %sign3A_270 = arith.subi %sign3A_266, %sign3A_269 : i32
        %ne3A_271 = arith.cmpi ne, %sign3A_263, %sign3A_270 : i32
        %rem3A_272 = arith.remsi %add3A_194, %jit3A_255 : i32
        %ne3A_273 = arith.constant 0 : i32
        %ne3A_274 = arith.cmpi ne, %rem3A_272, %ne3A_273 : i32
        %and3A_275 = arith.andi %ne3A_271, %ne3A_274 : i1
        %sub3A_276 = arith.constant 1 : i32
        %sub3A_277 = arith.subi %div3A_256, %sub3A_276 : i32
        %select_n3A_278 = arith.select %and3A_275, %sub3A_277, %div3A_256 : i32
        %jit3A_279 = arith.constant 1 : i32
        %eq3A_280 = arith.constant 0 : i32
        %eq3A_281 = arith.cmpi eq, %jit3A_279, %eq3A_280 : i32
        %jit3A_282 = arith.constant 1 : i32
        %select_n3A_283 = arith.select %eq3A_281, %jit3A_282, %jit3A_279 : i32
        %rem3A_284 = arith.remsi %add3A_194, %select_n3A_283 : i32
        %ne3A_285 = arith.constant 0 : i32
        %ne3A_286 = arith.cmpi ne, %rem3A_284, %ne3A_285 : i32
        %lt3A_287 = arith.constant 0 : i32
        %lt3A_288 = arith.cmpi slt, %rem3A_284, %lt3A_287 : i32
        %lt3A_289 = arith.constant 0 : i32
        %lt3A_290 = arith.cmpi slt, %select_n3A_283, %lt3A_289 : i32
        %ne3A_291 = arith.xori %lt3A_288, %lt3A_290 : i1
        %and3A_292 = arith.andi %ne3A_291, %ne3A_286 : i1
        %add3A_293 = arith.addi %rem3A_284, %select_n3A_283 : i32
        %select_n3A_294 = arith.select %and3A_292, %add3A_293, %rem3A_284 : i32
        %ne3A_295 = arith.cmpi ne, %select_n3A_238, %select_n3A_278 : i32
        %ne3A_296 = arith.cmpi ne, %select_n3A_254, %select_n3A_294 : i32
        %or3A_297 = arith.constant false
        %or3A_298 = arith.ori %or3A_297, %ne3A_295 : i1
        %or3A_299 = arith.ori %or3A_298, %ne3A_296 : i1
        %or3A_300 = arith.constant false
        %or3A_301 = arith.ori %or3A_299, %or3A_300 : i1
        %ge3A_302 = arith.constant 224 : i32
        %ge3A_303 = arith.cmpi sge, %scan3A_166, %ge3A_302 : i32
        %not3A_304 = arith.constant true
        %not3A_305 = arith.xori %ge3A_303, %not3A_304 : i1
        %and3A_306 = arith.andi %or3A_301, %not3A_305 : i1
        %ne3A_307 = arith.cmpi ne, %add3A_176, %add3A_185 : i32
        %or3A_308 = arith.constant false
        %or3A_309 = arith.ori %or3A_308, %ne3A_307 : i1
        %or3A_310 = arith.ori %or3A_309, %eq3A_173 : i1
        %convert_element_type3A_311 = arith.extui %or3A_310 : i1 to i32
        %cond3A_312 = arith.constant 0 : i32
        %cond3A_313 = arith.cmpi ne, %convert_element_type3A_311, %cond3A_312 : i32
        scf.if %cond3A_313 {
          "tpu.trace_start"() <{level = 10 : i32, message = "ep_wait_in"}> : () -> ()
          %mul3A_640 = arith.constant 256 : i32
          %mul3A_641 = arith.muli %mul3A_640, %add3A_176 : i32
          %rem3A_642 = arith.constant 2 : i32
          %rem3A_643 = arith.remui %scan3A_168, %rem3A_642 : i32
          %dma_wait3A_644 = arith.constant 0 : i32
          %dma_wait3A_645 = arith.constant 0 : i32
          %dma_wait3A_646 = tpu.memref_slice %run_scoped3A[%rem3A_643, %dma_wait3A_644, %dma_wait3A_645] : memref<2x1x256xi32, #tpu.memory_space<vmem>> -> memref<1x1x256xi32, #tpu.memory_space<vmem>>
          %dma_wait3A_647 = tpu.memref_squeeze %dma_wait3A_646 : memref<1x1x256xi32, #tpu.memory_space<vmem>> -> memref<1x256xi32, #tpu.memory_space<vmem>>
          %dma_wait3A_648 = arith.constant 0 : i32
          %dma_wait3A_649 = tpu.memref_slice %arg3[%dma_wait3A_648, %mul3A_641] : memref<1x1843200xi32, #tpu.memory_space<hbm>> -> memref<1x256xi32, #tpu.memory_space<hbm>>
          %dma_wait3A_650 = tpu.memref_slice %run_scoped3A_7[%rem3A_643] : memref<2x!tpu.dma_semaphore, #tpu.memory_space<semaphore_mem>> -> memref<1x!tpu.dma_semaphore, #tpu.memory_space<semaphore_mem>>
          %dma_wait3A_651 = tpu.memref_squeeze %dma_wait3A_650 : memref<1x!tpu.dma_semaphore, #tpu.memory_space<semaphore_mem>> -> memref<!tpu.dma_semaphore, #tpu.memory_space<semaphore_mem>>
          %dma_wait3A_652 = arith.constant 0 : i32
          %dma_wait3A_653 = arith.constant 0 : i32
          %dma_wait3A_654 = tpu.memref_slice %run_scoped3A[%rem3A_643, %dma_wait3A_652, %dma_wait3A_653] : memref<2x1x256xi32, #tpu.memory_space<vmem>> -> memref<1x1x256xi32, #tpu.memory_space<vmem>>
          %dma_wait3A_655 = tpu.memref_squeeze %dma_wait3A_654 : memref<1x1x256xi32, #tpu.memory_space<vmem>> -> memref<1x256xi32, #tpu.memory_space<vmem>>
          %dma_wait3A_656 = arith.constant 0 : i32
          %dma_wait3A_657 = tpu.memref_slice %arg3[%dma_wait3A_656, %mul3A_641] : memref<1x1843200xi32, #tpu.memory_space<hbm>> -> memref<1x256xi32, #tpu.memory_space<hbm>>
          tpu.wait_dma2 semaphore(%dma_wait3A_651 : memref<!tpu.dma_semaphore, #tpu.memory_space<semaphore_mem>>) src(%dma_wait3A_657 : memref<1x256xi32, #tpu.memory_space<hbm>>) dst(%dma_wait3A_655 : memref<1x256xi32, #tpu.memory_space<vmem>>)
          "tpu.trace_stop"() : () -> ()
        } else {
        }
        %jit3A_314 = arith.constant 1 : i32
        %div3A_315 = arith.divsi %add3A_176, %jit3A_314 : i32
        %sign3A_316 = arith.constant 0 : i32
        %sign3A_317 = arith.cmpi sgt, %add3A_176, %sign3A_316 : i32
        %sign3A_318 = arith.extui %sign3A_317 : i1 to i32
        %sign3A_319 = arith.constant 0 : i32
        %sign3A_320 = arith.cmpi slt, %add3A_176, %sign3A_319 : i32
        %sign3A_321 = arith.extui %sign3A_320 : i1 to i32
        %sign3A_322 = arith.subi %sign3A_318, %sign3A_321 : i32
        %sign3A_323 = arith.constant 0 : i32
        %sign3A_324 = arith.cmpi sgt, %jit3A_314, %sign3A_323 : i32
        %sign3A_325 = arith.extui %sign3A_324 : i1 to i32
        %sign3A_326 = arith.constant 0 : i32
        %sign3A_327 = arith.cmpi slt, %jit3A_314, %sign3A_326 : i32
        %sign3A_328 = arith.extui %sign3A_327 : i1 to i32
        %sign3A_329 = arith.subi %sign3A_325, %sign3A_328 : i32
        %ne3A_330 = arith.cmpi ne, %sign3A_322, %sign3A_329 : i32
        %rem3A_331 = arith.remsi %add3A_176, %jit3A_314 : i32
        %ne3A_332 = arith.constant 0 : i32
        %ne3A_333 = arith.cmpi ne, %rem3A_331, %ne3A_332 : i32
        %and3A_334 = arith.andi %ne3A_330, %ne3A_333 : i1
        %sub3A_335 = arith.constant 1 : i32
        %sub3A_336 = arith.subi %div3A_315, %sub3A_335 : i32
        %select_n3A_337 = arith.select %and3A_334, %sub3A_336, %div3A_315 : i32
        %jit3A_338 = arith.constant 1 : i32
        %eq3A_339 = arith.constant 0 : i32
        %eq3A_340 = arith.cmpi eq, %jit3A_338, %eq3A_339 : i32
        %jit3A_341 = arith.constant 1 : i32
        %select_n3A_342 = arith.select %eq3A_340, %jit3A_341, %jit3A_338 : i32
        %rem3A_343 = arith.remsi %add3A_176, %select_n3A_342 : i32
        %ne3A_344 = arith.constant 0 : i32
        %ne3A_345 = arith.cmpi ne, %rem3A_343, %ne3A_344 : i32
        %lt3A_346 = arith.constant 0 : i32
        %lt3A_347 = arith.cmpi slt, %rem3A_343, %lt3A_346 : i32
        %lt3A_348 = arith.constant 0 : i32
        %lt3A_349 = arith.cmpi slt, %select_n3A_342, %lt3A_348 : i32
        %ne3A_350 = arith.xori %lt3A_347, %lt3A_349 : i1
        %and3A_351 = arith.andi %ne3A_350, %ne3A_345 : i1
        %add3A_352 = arith.addi %rem3A_343, %select_n3A_342 : i32
        %select_n3A_353 = arith.select %and3A_351, %add3A_352, %rem3A_343 : i32
        %jit3A_354 = arith.constant 1 : i32
        %div3A_355 = arith.divsi %add3A_185, %jit3A_354 : i32
        %sign3A_356 = arith.constant 0 : i32
        %sign3A_357 = arith.cmpi sgt, %add3A_185, %sign3A_356 : i32
        %sign3A_358 = arith.extui %sign3A_357 : i1 to i32
        %sign3A_359 = arith.constant 0 : i32
        %sign3A_360 = arith.cmpi slt, %add3A_185, %sign3A_359 : i32
        %sign3A_361 = arith.extui %sign3A_360 : i1 to i32
        %sign3A_362 = arith.subi %sign3A_358, %sign3A_361 : i32
        %sign3A_363 = arith.constant 0 : i32
        %sign3A_364 = arith.cmpi sgt, %jit3A_354, %sign3A_363 : i32
        %sign3A_365 = arith.extui %sign3A_364 : i1 to i32
        %sign3A_366 = arith.constant 0 : i32
        %sign3A_367 = arith.cmpi slt, %jit3A_354, %sign3A_366 : i32
        %sign3A_368 = arith.extui %sign3A_367 : i1 to i32
        %sign3A_369 = arith.subi %sign3A_365, %sign3A_368 : i32
        %ne3A_370 = arith.cmpi ne, %sign3A_362, %sign3A_369 : i32
        %rem3A_371 = arith.remsi %add3A_185, %jit3A_354 : i32
        %ne3A_372 = arith.constant 0 : i32
        %ne3A_373 = arith.cmpi ne, %rem3A_371, %ne3A_372 : i32
        %and3A_374 = arith.andi %ne3A_370, %ne3A_373 : i1
        %sub3A_375 = arith.constant 1 : i32
        %sub3A_376 = arith.subi %div3A_355, %sub3A_375 : i32
        %select_n3A_377 = arith.select %and3A_374, %sub3A_376, %div3A_355 : i32
        %jit3A_378 = arith.constant 1 : i32
        %eq3A_379 = arith.constant 0 : i32
        %eq3A_380 = arith.cmpi eq, %jit3A_378, %eq3A_379 : i32
        %jit3A_381 = arith.constant 1 : i32
        %select_n3A_382 = arith.select %eq3A_380, %jit3A_381, %jit3A_378 : i32
        %rem3A_383 = arith.remsi %add3A_185, %select_n3A_382 : i32
        %ne3A_384 = arith.constant 0 : i32
        %ne3A_385 = arith.cmpi ne, %rem3A_383, %ne3A_384 : i32
        %lt3A_386 = arith.constant 0 : i32
        %lt3A_387 = arith.cmpi slt, %rem3A_383, %lt3A_386 : i32
        %lt3A_388 = arith.constant 0 : i32
        %lt3A_389 = arith.cmpi slt, %select_n3A_382, %lt3A_388 : i32
        %ne3A_390 = arith.xori %lt3A_387, %lt3A_389 : i1
        %and3A_391 = arith.andi %ne3A_390, %ne3A_385 : i1
        %add3A_392 = arith.addi %rem3A_383, %select_n3A_382 : i32
        %select_n3A_393 = arith.select %and3A_391, %add3A_392, %rem3A_383 : i32
        %ne3A_394 = arith.cmpi ne, %select_n3A_337, %select_n3A_377 : i32
        %ne3A_395 = arith.cmpi ne, %select_n3A_353, %select_n3A_393 : i32
        %or3A_396 = arith.constant false
        %or3A_397 = arith.ori %or3A_396, %ne3A_394 : i1
        %or3A_398 = arith.ori %or3A_397, %ne3A_395 : i1
        %or3A_399 = arith.constant false
        %or3A_400 = arith.ori %or3A_398, %or3A_399 : i1
        %or3A_401 = arith.ori %or3A_400, %eq3A_173 : i1
        %convert_element_type3A_402 = arith.extui %or3A_401 : i1 to i32
        %cond3A_403 = arith.constant 0 : i32
        %cond3A_404 = arith.cmpi ne, %convert_element_type3A_402, %cond3A_403 : i32
        scf.if %cond3A_404 {
        } else {
        }
        %rem3A_405 = arith.constant 2 : i32
        %rem3A_406 = arith.remui %scan3A_168, %rem3A_405 : i32
        %rem3A_407 = arith.constant 2 : i32
        %rem3A_408 = arith.remui %scan3A_169, %rem3A_407 : i32
        %run_scoped3A_409 = arith.constant 0 : i32
        %run_scoped3A_410 = arith.constant 0 : i32
        "tpu.trace_start"() <{level = 10 : i32, message = "ep_run_kernel"}> : () -> ()
        "tpu.region"() ({
          %run_scoped3A_640 = tpu.sem_alloc : memref<!tpu.dma_semaphore, #tpu.memory_space<semaphore_mem>>
          %dma_start3A_641 = arith.constant 0 : i32
          %dma_start3A_642 = arith.constant 0 : i32
          %dma_start3A_643 = arith.constant 0 : i32
          %dma_start3A_644 = tpu.memref_slice %run_scoped3A_8[%rem3A_408, %dma_start3A_641, %dma_start3A_642, %dma_start3A_643] : memref<2x1x256x128xf32, #tpu.memory_space<vmem>> -> memref<1x1x256x128xf32, #tpu.memory_space<vmem>>
          %dma_start3A_645 = tpu.memref_squeeze %dma_start3A_644 : memref<1x1x256x128xf32, #tpu.memory_space<vmem>> -> memref<1x256x128xf32, #tpu.memory_space<vmem>>
          %dma_start3A_646 = arith.constant 0 : i32
          %dma_start3A_647 = arith.constant 0 : i32
          %dma_start3A_648 = tpu.memref_slice %dma_start3A_645[%run_scoped3A_410, %dma_start3A_646, %dma_start3A_647] : memref<1x256x128xf32, #tpu.memory_space<vmem>> -> memref<1x256x128xf32, #tpu.memory_space<vmem>>
          %dma_start3A_649 = tpu.memref_squeeze %dma_start3A_648 : memref<1x256x128xf32, #tpu.memory_space<vmem>> -> memref<256x128xf32, #tpu.memory_space<vmem>>
          %dma_start3A_650 = arith.constant 0 : i32
          %dma_start3A_651 = arith.constant 0 : i32
          %dma_start3A_652 = tpu.memref_slice %run_scoped3A[%rem3A_406, %dma_start3A_650, %dma_start3A_651] : memref<2x1x256xi32, #tpu.memory_space<vmem>> -> memref<1x1x256xi32, #tpu.memory_space<vmem>>
          %dma_start3A_653 = tpu.memref_squeeze %dma_start3A_652 : memref<1x1x256xi32, #tpu.memory_space<vmem>> -> memref<1x256xi32, #tpu.memory_space<vmem>>
          %dma_start3A_654 = arith.constant 0 : i32
          %dma_start3A_655 = tpu.memref_slice %dma_start3A_653[%run_scoped3A_409, %dma_start3A_654] : memref<1x256xi32, #tpu.memory_space<vmem>> -> memref<1x256xi32, #tpu.memory_space<vmem>>
          %dma_start3A_656 = tpu.memref_squeeze %dma_start3A_655 : memref<1x256xi32, #tpu.memory_space<vmem>> -> memref<256xi32, #tpu.memory_space<vmem>>
          %dma_start3A_657 = arith.constant 0 : i32
          %dma_start3A_658 = arith.constant 0 : i32
          %dma_start3A_659 = tpu.memref_slice %arg2[%dma_start3A_657, %dma_start3A_658] : memref<45000x128xf32, #tpu.memory_space<hbm>> -> memref<45000x128xf32, #tpu.memory_space<hbm>>
          tpu.enqueue_indirect_dma source(%dma_start3A_659 : memref<45000x128xf32, #tpu.memory_space<hbm>>) target(%dma_start3A_649 : memref<256x128xf32, #tpu.memory_space<vmem>>) offsets(%dma_start3A_656 : memref<256xi32, #tpu.memory_space<vmem>>) semaphore(%run_scoped3A_640 : memref<!tpu.dma_semaphore, #tpu.memory_space<semaphore_mem>>)
          %dma_wait3A_660 = arith.constant 0 : i32
          %dma_wait3A_661 = arith.constant 0 : i32
          %dma_wait3A_662 = arith.constant 0 : i32
          %dma_wait3A_663 = tpu.memref_slice %run_scoped3A_8[%rem3A_408, %dma_wait3A_660, %dma_wait3A_661, %dma_wait3A_662] : memref<2x1x256x128xf32, #tpu.memory_space<vmem>> -> memref<1x1x256x128xf32, #tpu.memory_space<vmem>>
          %dma_wait3A_664 = tpu.memref_squeeze %dma_wait3A_663 : memref<1x1x256x128xf32, #tpu.memory_space<vmem>> -> memref<1x256x128xf32, #tpu.memory_space<vmem>>
          %dma_wait3A_665 = arith.constant 0 : i32
          %dma_wait3A_666 = arith.constant 0 : i32
          %dma_wait3A_667 = tpu.memref_slice %dma_wait3A_664[%run_scoped3A_410, %dma_wait3A_665, %dma_wait3A_666] : memref<1x256x128xf32, #tpu.memory_space<vmem>> -> memref<1x256x128xf32, #tpu.memory_space<vmem>>
          %dma_wait3A_668 = tpu.memref_squeeze %dma_wait3A_667 : memref<1x256x128xf32, #tpu.memory_space<vmem>> -> memref<256x128xf32, #tpu.memory_space<vmem>>
          %dma_wait3A_669 = arith.constant 0 : i32
          %dma_wait3A_670 = arith.constant 0 : i32
          %dma_wait3A_671 = tpu.memref_slice %run_scoped3A[%rem3A_406, %dma_wait3A_669, %dma_wait3A_670] : memref<2x1x256xi32, #tpu.memory_space<vmem>> -> memref<1x1x256xi32, #tpu.memory_space<vmem>>
          %dma_wait3A_672 = tpu.memref_squeeze %dma_wait3A_671 : memref<1x1x256xi32, #tpu.memory_space<vmem>> -> memref<1x256xi32, #tpu.memory_space<vmem>>
          %dma_wait3A_673 = arith.constant 0 : i32
          %dma_wait3A_674 = tpu.memref_slice %dma_wait3A_672[%run_scoped3A_409, %dma_wait3A_673] : memref<1x256xi32, #tpu.memory_space<vmem>> -> memref<1x256xi32, #tpu.memory_space<vmem>>
          %dma_wait3A_675 = tpu.memref_squeeze %dma_wait3A_674 : memref<1x256xi32, #tpu.memory_space<vmem>> -> memref<256xi32, #tpu.memory_space<vmem>>
          %dma_wait3A_676 = arith.constant 0 : i32
          %dma_wait3A_677 = arith.constant 0 : i32
          %dma_wait3A_678 = tpu.memref_slice %arg2[%dma_wait3A_676, %dma_wait3A_677] : memref<45000x128xf32, #tpu.memory_space<hbm>> -> memref<45000x128xf32, #tpu.memory_space<hbm>>
          tpu.wait_indirect_dma semaphore(%run_scoped3A_640 : memref<!tpu.dma_semaphore, #tpu.memory_space<semaphore_mem>>) src(%dma_wait3A_678 : memref<45000x128xf32, #tpu.memory_space<hbm>>) dst(%dma_wait3A_668 : memref<256x128xf32, #tpu.memory_space<vmem>>)
          tpu.yield
        }) : () -> ()
        "tpu.trace_stop"() : () -> ()
        %ne3A_411 = arith.cmpi ne, %add3A_176, %add3A_194 : i32
        %or3A_412 = arith.constant false
        %or3A_413 = arith.ori %or3A_412, %ne3A_411 : i1
        %or3A_414 = arith.ori %or3A_413, %eq3A_175 : i1
        %convert_element_type3A_415 = arith.extui %or3A_414 : i1 to i32
        %cond3A_416 = arith.constant 0 : i32
        %cond3A_417 = arith.cmpi ne, %convert_element_type3A_415, %cond3A_416 : i32
        scf.if %cond3A_417 {
        } else {
        }
        %and3A_418 = arith.constant false
        %and3A_419 = arith.andi %or3A_414, %and3A_418 : i1
        %jit3A_420 = arith.constant 1 : i32
        %div3A_421 = arith.divsi %add3A_176, %jit3A_420 : i32
        %sign3A_422 = arith.constant 0 : i32
        %sign3A_423 = arith.cmpi sgt, %add3A_176, %sign3A_422 : i32
        %sign3A_424 = arith.extui %sign3A_423 : i1 to i32
        %sign3A_425 = arith.constant 0 : i32
        %sign3A_426 = arith.cmpi slt, %add3A_176, %sign3A_425 : i32
        %sign3A_427 = arith.extui %sign3A_426 : i1 to i32
        %sign3A_428 = arith.subi %sign3A_424, %sign3A_427 : i32
        %sign3A_429 = arith.constant 0 : i32
        %sign3A_430 = arith.cmpi sgt, %jit3A_420, %sign3A_429 : i32
        %sign3A_431 = arith.extui %sign3A_430 : i1 to i32
        %sign3A_432 = arith.constant 0 : i32
        %sign3A_433 = arith.cmpi slt, %jit3A_420, %sign3A_432 : i32
        %sign3A_434 = arith.extui %sign3A_433 : i1 to i32
        %sign3A_435 = arith.subi %sign3A_431, %sign3A_434 : i32
        %ne3A_436 = arith.cmpi ne, %sign3A_428, %sign3A_435 : i32
        %rem3A_437 = arith.remsi %add3A_176, %jit3A_420 : i32
        %ne3A_438 = arith.constant 0 : i32
        %ne3A_439 = arith.cmpi ne, %rem3A_437, %ne3A_438 : i32
        %and3A_440 = arith.andi %ne3A_436, %ne3A_439 : i1
        %sub3A_441 = arith.constant 1 : i32
        %sub3A_442 = arith.subi %div3A_421, %sub3A_441 : i32
        %select_n3A_443 = arith.select %and3A_440, %sub3A_442, %div3A_421 : i32
        %jit3A_444 = arith.constant 1 : i32
        %eq3A_445 = arith.constant 0 : i32
        %eq3A_446 = arith.cmpi eq, %jit3A_444, %eq3A_445 : i32
        %jit3A_447 = arith.constant 1 : i32
        %select_n3A_448 = arith.select %eq3A_446, %jit3A_447, %jit3A_444 : i32
        %rem3A_449 = arith.remsi %add3A_176, %select_n3A_448 : i32
        %ne3A_450 = arith.constant 0 : i32
        %ne3A_451 = arith.cmpi ne, %rem3A_449, %ne3A_450 : i32
        %lt3A_452 = arith.constant 0 : i32
        %lt3A_453 = arith.cmpi slt, %rem3A_449, %lt3A_452 : i32
        %lt3A_454 = arith.constant 0 : i32
        %lt3A_455 = arith.cmpi slt, %select_n3A_448, %lt3A_454 : i32
        %ne3A_456 = arith.xori %lt3A_453, %lt3A_455 : i1
        %and3A_457 = arith.andi %ne3A_456, %ne3A_451 : i1
        %add3A_458 = arith.addi %rem3A_449, %select_n3A_448 : i32
        %select_n3A_459 = arith.select %and3A_457, %add3A_458, %rem3A_449 : i32
        %jit3A_460 = arith.constant 1 : i32
        %div3A_461 = arith.divsi %add3A_194, %jit3A_460 : i32
        %sign3A_462 = arith.constant 0 : i32
        %sign3A_463 = arith.cmpi sgt, %add3A_194, %sign3A_462 : i32
        %sign3A_464 = arith.extui %sign3A_463 : i1 to i32
        %sign3A_465 = arith.constant 0 : i32
        %sign3A_466 = arith.cmpi slt, %add3A_194, %sign3A_465 : i32
        %sign3A_467 = arith.extui %sign3A_466 : i1 to i32
        %sign3A_468 = arith.subi %sign3A_464, %sign3A_467 : i32
        %sign3A_469 = arith.constant 0 : i32
        %sign3A_470 = arith.cmpi sgt, %jit3A_460, %sign3A_469 : i32
        %sign3A_471 = arith.extui %sign3A_470 : i1 to i32
        %sign3A_472 = arith.constant 0 : i32
        %sign3A_473 = arith.cmpi slt, %jit3A_460, %sign3A_472 : i32
        %sign3A_474 = arith.extui %sign3A_473 : i1 to i32
        %sign3A_475 = arith.subi %sign3A_471, %sign3A_474 : i32
        %ne3A_476 = arith.cmpi ne, %sign3A_468, %sign3A_475 : i32
        %rem3A_477 = arith.remsi %add3A_194, %jit3A_460 : i32
        %ne3A_478 = arith.constant 0 : i32
        %ne3A_479 = arith.cmpi ne, %rem3A_477, %ne3A_478 : i32
        %and3A_480 = arith.andi %ne3A_476, %ne3A_479 : i1
        %sub3A_481 = arith.constant 1 : i32
        %sub3A_482 = arith.subi %div3A_461, %sub3A_481 : i32
        %select_n3A_483 = arith.select %and3A_480, %sub3A_482, %div3A_461 : i32
        %jit3A_484 = arith.constant 1 : i32
        %eq3A_485 = arith.constant 0 : i32
        %eq3A_486 = arith.cmpi eq, %jit3A_484, %eq3A_485 : i32
        %jit3A_487 = arith.constant 1 : i32
        %select_n3A_488 = arith.select %eq3A_486, %jit3A_487, %jit3A_484 : i32
        %rem3A_489 = arith.remsi %add3A_194, %select_n3A_488 : i32
        %ne3A_490 = arith.constant 0 : i32
        %ne3A_491 = arith.cmpi ne, %rem3A_489, %ne3A_490 : i32
        %lt3A_492 = arith.constant 0 : i32
        %lt3A_493 = arith.cmpi slt, %rem3A_489, %lt3A_492 : i32
        %lt3A_494 = arith.constant 0 : i32
        %lt3A_495 = arith.cmpi slt, %select_n3A_488, %lt3A_494 : i32
        %ne3A_496 = arith.xori %lt3A_493, %lt3A_495 : i1
        %and3A_497 = arith.andi %ne3A_496, %ne3A_491 : i1
        %add3A_498 = arith.addi %rem3A_489, %select_n3A_488 : i32
        %select_n3A_499 = arith.select %and3A_497, %add3A_498, %rem3A_489 : i32
        %ne3A_500 = arith.cmpi ne, %select_n3A_443, %select_n3A_483 : i32
        %ne3A_501 = arith.cmpi ne, %select_n3A_459, %select_n3A_499 : i32
        %or3A_502 = arith.constant false
        %or3A_503 = arith.ori %or3A_502, %ne3A_500 : i1
        %or3A_504 = arith.ori %or3A_503, %ne3A_501 : i1
        %or3A_505 = arith.constant false
        %or3A_506 = arith.ori %or3A_504, %or3A_505 : i1
        %or3A_507 = arith.ori %or3A_506, %eq3A_175 : i1
        %convert_element_type3A_508 = arith.extui %or3A_507 : i1 to i32
        %cond3A_509 = arith.constant 0 : i32
        %cond3A_510 = arith.cmpi ne, %convert_element_type3A_508, %cond3A_509 : i32
        scf.if %cond3A_510 {
          "tpu.trace_start"() <{level = 10 : i32, message = "ep_copy_out"}> : () -> ()
          %rem3A_640 = arith.constant 2 : i32
          %rem3A_641 = arith.remui %scan3A_169, %rem3A_640 : i32
          %jit3A_642 = arith.constant 1 : i32
          %div3A_643 = arith.divsi %add3A_176, %jit3A_642 : i32
          %sign3A_644 = arith.constant 0 : i32
          %sign3A_645 = arith.cmpi sgt, %add3A_176, %sign3A_644 : i32
          %sign3A_646 = arith.extui %sign3A_645 : i1 to i32
          %sign3A_647 = arith.constant 0 : i32
          %sign3A_648 = arith.cmpi slt, %add3A_176, %sign3A_647 : i32
          %sign3A_649 = arith.extui %sign3A_648 : i1 to i32
          %sign3A_650 = arith.subi %sign3A_646, %sign3A_649 : i32
          %sign3A_651 = arith.constant 0 : i32
          %sign3A_652 = arith.cmpi sgt, %jit3A_642, %sign3A_651 : i32
          %sign3A_653 = arith.extui %sign3A_652 : i1 to i32
          %sign3A_654 = arith.constant 0 : i32
          %sign3A_655 = arith.cmpi slt, %jit3A_642, %sign3A_654 : i32
          %sign3A_656 = arith.extui %sign3A_655 : i1 to i32
          %sign3A_657 = arith.subi %sign3A_653, %sign3A_656 : i32
          %ne3A_658 = arith.cmpi ne, %sign3A_650, %sign3A_657 : i32
          %rem3A_659 = arith.remsi %add3A_176, %jit3A_642 : i32
          %ne3A_660 = arith.constant 0 : i32
          %ne3A_661 = arith.cmpi ne, %rem3A_659, %ne3A_660 : i32
          %and3A_662 = arith.andi %ne3A_658, %ne3A_661 : i1
          %sub3A_663 = arith.constant 1 : i32
          %sub3A_664 = arith.subi %div3A_643, %sub3A_663 : i32
          %select_n3A_665 = arith.select %and3A_662, %sub3A_664, %div3A_643 : i32
          %jit3A_666 = arith.constant 1 : i32
          %eq3A_667 = arith.constant 0 : i32
          %eq3A_668 = arith.cmpi eq, %jit3A_666, %eq3A_667 : i32
          %jit3A_669 = arith.constant 1 : i32
          %select_n3A_670 = arith.select %eq3A_668, %jit3A_669, %jit3A_666 : i32
          %rem3A_671 = arith.remsi %add3A_176, %select_n3A_670 : i32
          %ne3A_672 = arith.constant 0 : i32
          %ne3A_673 = arith.cmpi ne, %rem3A_671, %ne3A_672 : i32
          %lt3A_674 = arith.constant 0 : i32
          %lt3A_675 = arith.cmpi slt, %rem3A_671, %lt3A_674 : i32
          %lt3A_676 = arith.constant 0 : i32
          %lt3A_677 = arith.cmpi slt, %select_n3A_670, %lt3A_676 : i32
          %ne3A_678 = arith.xori %lt3A_675, %lt3A_677 : i1
          %and3A_679 = arith.andi %ne3A_678, %ne3A_673 : i1
          %add3A_680 = arith.addi %rem3A_671, %select_n3A_670 : i32
          %select_n3A_681 = arith.select %and3A_679, %add3A_680, %rem3A_671 : i32
          %mul3A_682 = arith.constant 1 : i32
          %mul3A_683 = arith.muli %mul3A_682, %select_n3A_665 : i32
          %mul3A_684 = arith.constant 256 : i32
          %mul3A_685 = arith.muli %mul3A_684, %select_n3A_681 : i32
          %eq3A_686 = arith.constant 1 : i32
          %eq3A_687 = arith.cmpi eq, %select_n3A_681, %eq3A_686 : i32
          %jit3A_688 = arith.constant 200 : i32
          %jit3A_689 = arith.constant 256 : i32
          %select_n3A_690 = arith.select %eq3A_687, %jit3A_688, %jit3A_689 : i32
          %multiple_of3A_691 = tpu.assume_multiple %select_n3A_690, 8 : i32
          %mul3A_692 = arith.constant 256 : i32
          %mul3A_693 = arith.muli %select_n3A_681, %mul3A_692 : i32
          %dma_start3A_694 = arith.constant 0 : i32
          %dma_start3A_695 = arith.constant 0 : i32
          %dma_start3A_696 = arith.constant 0 : i32
          %dma_start3A_697 = tpu.memref_slice %run_scoped3A_8[%rem3A_641, %dma_start3A_694, %dma_start3A_695, %dma_start3A_696] <%multiple_of3A_691> : memref<2x1x256x128xf32, #tpu.memory_space<vmem>> -> memref<1x1x?x128xf32, #tpu.memory_space<vmem>>
          %dma_start3A_698 = tpu.memref_squeeze %dma_start3A_697 : memref<1x1x?x128xf32, #tpu.memory_space<vmem>> -> memref<1x?x128xf32, #tpu.memory_space<vmem>>
          %dma_start3A_699 = arith.constant 0 : i32
          %dma_start3A_700 = tpu.memref_slice %arg4[%mul3A_683, %mul3A_693, %dma_start3A_699] <%multiple_of3A_691> : memref<4096x450x128xf32, #tpu.memory_space<hbm>> -> memref<1x?x128xf32, #tpu.memory_space<hbm>>
          %dma_start3A_701 = tpu.memref_slice %run_scoped3A_9[%rem3A_641] : memref<2x!tpu.dma_semaphore, #tpu.memory_space<semaphore_mem>> -> memref<1x!tpu.dma_semaphore, #tpu.memory_space<semaphore_mem>>
          %dma_start3A_702 = tpu.memref_squeeze %dma_start3A_701 : memref<1x!tpu.dma_semaphore, #tpu.memory_space<semaphore_mem>> -> memref<!tpu.dma_semaphore, #tpu.memory_space<semaphore_mem>>
          %dma_start3A_703 = arith.constant 0 : i32
          %dma_start3A_704 = tpu.memref_slice %arg4[%mul3A_683, %mul3A_693, %dma_start3A_703] <%multiple_of3A_691> : memref<4096x450x128xf32, #tpu.memory_space<hbm>> -> memref<1x?x128xf32, #tpu.memory_space<hbm>>
          %dma_start3A_705 = arith.constant 0 : i32
          %dma_start3A_706 = arith.constant 0 : i32
          %dma_start3A_707 = arith.constant 0 : i32
          %dma_start3A_708 = tpu.memref_slice %run_scoped3A_8[%rem3A_641, %dma_start3A_705, %dma_start3A_706, %dma_start3A_707] <%multiple_of3A_691> : memref<2x1x256x128xf32, #tpu.memory_space<vmem>> -> memref<1x1x?x128xf32, #tpu.memory_space<vmem>>
          %dma_start3A_709 = tpu.memref_squeeze %dma_start3A_708 : memref<1x1x?x128xf32, #tpu.memory_space<vmem>> -> memref<1x?x128xf32, #tpu.memory_space<vmem>>
          tpu.enqueue_dma source(%dma_start3A_709 : memref<1x?x128xf32, #tpu.memory_space<vmem>>) target(%dma_start3A_704 : memref<1x?x128xf32, #tpu.memory_space<hbm>>) target_semaphore(%dma_start3A_702 : memref<!tpu.dma_semaphore, #tpu.memory_space<semaphore_mem>>)
          "tpu.trace_stop"() : () -> ()
        } else {
        }
        %and3A_511 = arith.constant true
        %and3A_512 = arith.andi %or3A_507, %and3A_511 : i1
        %add3A_513 = arith.constant 1 : i32
        %add3A_514 = arith.addi %scan3A_169, %add3A_513 : i32
        %select_n3A_515 = arith.select %and3A_512, %add3A_514, %scan3A_169 : i32
        %ne3A_516 = arith.cmpi ne, %add3A_176, %add3A_185 : i32
        %or3A_517 = arith.constant false
        %or3A_518 = arith.ori %or3A_517, %ne3A_516 : i1
        %not3A_519 = arith.constant true
        %not3A_520 = arith.xori %eq3A_173, %not3A_519 : i1
        %and3A_521 = arith.andi %or3A_518, %not3A_520 : i1
        %convert_element_type3A_522 = arith.extui %and3A_521 : i1 to i32
        %cond3A_523 = arith.constant 0 : i32
        %cond3A_524 = arith.cmpi ne, %convert_element_type3A_522, %cond3A_523 : i32
        scf.if %cond3A_524 {
        } else {
        }
        %and3A_525 = arith.constant false
        %and3A_526 = arith.andi %and3A_521, %and3A_525 : i1
        %jit3A_527 = arith.constant 1 : i32
        %div3A_528 = arith.divsi %add3A_176, %jit3A_527 : i32
        %sign3A_529 = arith.constant 0 : i32
        %sign3A_530 = arith.cmpi sgt, %add3A_176, %sign3A_529 : i32
        %sign3A_531 = arith.extui %sign3A_530 : i1 to i32
        %sign3A_532 = arith.constant 0 : i32
        %sign3A_533 = arith.cmpi slt, %add3A_176, %sign3A_532 : i32
        %sign3A_534 = arith.extui %sign3A_533 : i1 to i32
        %sign3A_535 = arith.subi %sign3A_531, %sign3A_534 : i32
        %sign3A_536 = arith.constant 0 : i32
        %sign3A_537 = arith.cmpi sgt, %jit3A_527, %sign3A_536 : i32
        %sign3A_538 = arith.extui %sign3A_537 : i1 to i32
        %sign3A_539 = arith.constant 0 : i32
        %sign3A_540 = arith.cmpi slt, %jit3A_527, %sign3A_539 : i32
        %sign3A_541 = arith.extui %sign3A_540 : i1 to i32
        %sign3A_542 = arith.subi %sign3A_538, %sign3A_541 : i32
        %ne3A_543 = arith.cmpi ne, %sign3A_535, %sign3A_542 : i32
        %rem3A_544 = arith.remsi %add3A_176, %jit3A_527 : i32
        %ne3A_545 = arith.constant 0 : i32
        %ne3A_546 = arith.cmpi ne, %rem3A_544, %ne3A_545 : i32
        %and3A_547 = arith.andi %ne3A_543, %ne3A_546 : i1
        %sub3A_548 = arith.constant 1 : i32
        %sub3A_549 = arith.subi %div3A_528, %sub3A_548 : i32
        %select_n3A_550 = arith.select %and3A_547, %sub3A_549, %div3A_528 : i32
        %jit3A_551 = arith.constant 1 : i32
        %eq3A_552 = arith.constant 0 : i32
        %eq3A_553 = arith.cmpi eq, %jit3A_551, %eq3A_552 : i32
        %jit3A_554 = arith.constant 1 : i32
        %select_n3A_555 = arith.select %eq3A_553, %jit3A_554, %jit3A_551 : i32
        %rem3A_556 = arith.remsi %add3A_176, %select_n3A_555 : i32
        %ne3A_557 = arith.constant 0 : i32
        %ne3A_558 = arith.cmpi ne, %rem3A_556, %ne3A_557 : i32
        %lt3A_559 = arith.constant 0 : i32
        %lt3A_560 = arith.cmpi slt, %rem3A_556, %lt3A_559 : i32
        %lt3A_561 = arith.constant 0 : i32
        %lt3A_562 = arith.cmpi slt, %select_n3A_555, %lt3A_561 : i32
        %ne3A_563 = arith.xori %lt3A_560, %lt3A_562 : i1
        %and3A_564 = arith.andi %ne3A_563, %ne3A_558 : i1
        %add3A_565 = arith.addi %rem3A_556, %select_n3A_555 : i32
        %select_n3A_566 = arith.select %and3A_564, %add3A_565, %rem3A_556 : i32
        %jit3A_567 = arith.constant 1 : i32
        %div3A_568 = arith.divsi %add3A_185, %jit3A_567 : i32
        %sign3A_569 = arith.constant 0 : i32
        %sign3A_570 = arith.cmpi sgt, %add3A_185, %sign3A_569 : i32
        %sign3A_571 = arith.extui %sign3A_570 : i1 to i32
        %sign3A_572 = arith.constant 0 : i32
        %sign3A_573 = arith.cmpi slt, %add3A_185, %sign3A_572 : i32
        %sign3A_574 = arith.extui %sign3A_573 : i1 to i32
        %sign3A_575 = arith.subi %sign3A_571, %sign3A_574 : i32
        %sign3A_576 = arith.constant 0 : i32
        %sign3A_577 = arith.cmpi sgt, %jit3A_567, %sign3A_576 : i32
        %sign3A_578 = arith.extui %sign3A_577 : i1 to i32
        %sign3A_579 = arith.constant 0 : i32
        %sign3A_580 = arith.cmpi slt, %jit3A_567, %sign3A_579 : i32
        %sign3A_581 = arith.extui %sign3A_580 : i1 to i32
        %sign3A_582 = arith.subi %sign3A_578, %sign3A_581 : i32
        %ne3A_583 = arith.cmpi ne, %sign3A_575, %sign3A_582 : i32
        %rem3A_584 = arith.remsi %add3A_185, %jit3A_567 : i32
        %ne3A_585 = arith.constant 0 : i32
        %ne3A_586 = arith.cmpi ne, %rem3A_584, %ne3A_585 : i32
        %and3A_587 = arith.andi %ne3A_583, %ne3A_586 : i1
        %sub3A_588 = arith.constant 1 : i32
        %sub3A_589 = arith.subi %div3A_568, %sub3A_588 : i32
        %select_n3A_590 = arith.select %and3A_587, %sub3A_589, %div3A_568 : i32
        %jit3A_591 = arith.constant 1 : i32
        %eq3A_592 = arith.constant 0 : i32
        %eq3A_593 = arith.cmpi eq, %jit3A_591, %eq3A_592 : i32
        %jit3A_594 = arith.constant 1 : i32
        %select_n3A_595 = arith.select %eq3A_593, %jit3A_594, %jit3A_591 : i32
        %rem3A_596 = arith.remsi %add3A_185, %select_n3A_595 : i32
        %ne3A_597 = arith.constant 0 : i32
        %ne3A_598 = arith.cmpi ne, %rem3A_596, %ne3A_597 : i32
        %lt3A_599 = arith.constant 0 : i32
        %lt3A_600 = arith.cmpi slt, %rem3A_596, %lt3A_599 : i32
        %lt3A_601 = arith.constant 0 : i32
        %lt3A_602 = arith.cmpi slt, %select_n3A_595, %lt3A_601 : i32
        %ne3A_603 = arith.xori %lt3A_600, %lt3A_602 : i1
        %and3A_604 = arith.andi %ne3A_603, %ne3A_598 : i1
        %add3A_605 = arith.addi %rem3A_596, %select_n3A_595 : i32
        %select_n3A_606 = arith.select %and3A_604, %add3A_605, %rem3A_596 : i32
        %ne3A_607 = arith.cmpi ne, %select_n3A_550, %select_n3A_590 : i32
        %ne3A_608 = arith.cmpi ne, %select_n3A_566, %select_n3A_606 : i32
        %or3A_609 = arith.constant false
        %or3A_610 = arith.ori %or3A_609, %ne3A_607 : i1
        %or3A_611 = arith.ori %or3A_610, %ne3A_608 : i1
        %or3A_612 = arith.constant false
        %or3A_613 = arith.ori %or3A_611, %or3A_612 : i1
        %not3A_614 = arith.constant true
        %not3A_615 = arith.xori %eq3A_173, %not3A_614 : i1
        %and3A_616 = arith.andi %or3A_613, %not3A_615 : i1
        %convert_element_type3A_617 = arith.extui %and3A_616 : i1 to i32
        %cond3A_618 = arith.constant 0 : i32
        %cond3A_619 = arith.cmpi ne, %convert_element_type3A_617, %cond3A_618 : i32
        scf.if %cond3A_619 {
          "tpu.trace_start"() <{level = 10 : i32, message = "ep_wait_out"}> : () -> ()
          %rem3A_640 = arith.constant 2 : i32
          %rem3A_641 = arith.remui %scan3A_170, %rem3A_640 : i32
          %jit3A_642 = arith.constant 1 : i32
          %div3A_643 = arith.divsi %add3A_185, %jit3A_642 : i32
          %sign3A_644 = arith.constant 0 : i32
          %sign3A_645 = arith.cmpi sgt, %add3A_185, %sign3A_644 : i32
          %sign3A_646 = arith.extui %sign3A_645 : i1 to i32
          %sign3A_647 = arith.constant 0 : i32
          %sign3A_648 = arith.cmpi slt, %add3A_185, %sign3A_647 : i32
          %sign3A_649 = arith.extui %sign3A_648 : i1 to i32
          %sign3A_650 = arith.subi %sign3A_646, %sign3A_649 : i32
          %sign3A_651 = arith.constant 0 : i32
          %sign3A_652 = arith.cmpi sgt, %jit3A_642, %sign3A_651 : i32
          %sign3A_653 = arith.extui %sign3A_652 : i1 to i32
          %sign3A_654 = arith.constant 0 : i32
          %sign3A_655 = arith.cmpi slt, %jit3A_642, %sign3A_654 : i32
          %sign3A_656 = arith.extui %sign3A_655 : i1 to i32
          %sign3A_657 = arith.subi %sign3A_653, %sign3A_656 : i32
          %ne3A_658 = arith.cmpi ne, %sign3A_650, %sign3A_657 : i32
          %rem3A_659 = arith.remsi %add3A_185, %jit3A_642 : i32
          %ne3A_660 = arith.constant 0 : i32
          %ne3A_661 = arith.cmpi ne, %rem3A_659, %ne3A_660 : i32
          %and3A_662 = arith.andi %ne3A_658, %ne3A_661 : i1
          %sub3A_663 = arith.constant 1 : i32
          %sub3A_664 = arith.subi %div3A_643, %sub3A_663 : i32
          %select_n3A_665 = arith.select %and3A_662, %sub3A_664, %div3A_643 : i32
          %jit3A_666 = arith.constant 1 : i32
          %eq3A_667 = arith.constant 0 : i32
          %eq3A_668 = arith.cmpi eq, %jit3A_666, %eq3A_667 : i32
          %jit3A_669 = arith.constant 1 : i32
          %select_n3A_670 = arith.select %eq3A_668, %jit3A_669, %jit3A_666 : i32
          %rem3A_671 = arith.remsi %add3A_185, %select_n3A_670 : i32
          %ne3A_672 = arith.constant 0 : i32
          %ne3A_673 = arith.cmpi ne, %rem3A_671, %ne3A_672 : i32
          %lt3A_674 = arith.constant 0 : i32
          %lt3A_675 = arith.cmpi slt, %rem3A_671, %lt3A_674 : i32
          %lt3A_676 = arith.constant 0 : i32
          %lt3A_677 = arith.cmpi slt, %select_n3A_670, %lt3A_676 : i32
          %ne3A_678 = arith.xori %lt3A_675, %lt3A_677 : i1
          %and3A_679 = arith.andi %ne3A_678, %ne3A_673 : i1
          %add3A_680 = arith.addi %rem3A_671, %select_n3A_670 : i32
          %select_n3A_681 = arith.select %and3A_679, %add3A_680, %rem3A_671 : i32
          %mul3A_682 = arith.constant 1 : i32
          %mul3A_683 = arith.muli %mul3A_682, %select_n3A_665 : i32
          %mul3A_684 = arith.constant 256 : i32
          %mul3A_685 = arith.muli %mul3A_684, %select_n3A_681 : i32
          %eq3A_686 = arith.constant 1 : i32
          %eq3A_687 = arith.cmpi eq, %select_n3A_681, %eq3A_686 : i32
          %jit3A_688 = arith.constant 200 : i32
          %jit3A_689 = arith.constant 256 : i32
          %select_n3A_690 = arith.select %eq3A_687, %jit3A_688, %jit3A_689 : i32
          %multiple_of3A_691 = tpu.assume_multiple %select_n3A_690, 8 : i32
          %mul3A_692 = arith.constant 256 : i32
          %mul3A_693 = arith.muli %select_n3A_681, %mul3A_692 : i32
          %dma_wait3A_694 = arith.constant 0 : i32
          %dma_wait3A_695 = arith.constant 0 : i32
          %dma_wait3A_696 = arith.constant 0 : i32
          %dma_wait3A_697 = tpu.memref_slice %run_scoped3A_8[%rem3A_641, %dma_wait3A_694, %dma_wait3A_695, %dma_wait3A_696] <%multiple_of3A_691> : memref<2x1x256x128xf32, #tpu.memory_space<vmem>> -> memref<1x1x?x128xf32, #tpu.memory_space<vmem>>
          %dma_wait3A_698 = tpu.memref_squeeze %dma_wait3A_697 : memref<1x1x?x128xf32, #tpu.memory_space<vmem>> -> memref<1x?x128xf32, #tpu.memory_space<vmem>>
          %dma_wait3A_699 = arith.constant 0 : i32
          %dma_wait3A_700 = tpu.memref_slice %arg4[%mul3A_683, %mul3A_693, %dma_wait3A_699] <%multiple_of3A_691> : memref<4096x450x128xf32, #tpu.memory_space<hbm>> -> memref<1x?x128xf32, #tpu.memory_space<hbm>>
          %dma_wait3A_701 = tpu.memref_slice %run_scoped3A_9[%rem3A_641] : memref<2x!tpu.dma_semaphore, #tpu.memory_space<semaphore_mem>> -> memref<1x!tpu.dma_semaphore, #tpu.memory_space<semaphore_mem>>
          %dma_wait3A_702 = tpu.memref_squeeze %dma_wait3A_701 : memref<1x!tpu.dma_semaphore, #tpu.memory_space<semaphore_mem>> -> memref<!tpu.dma_semaphore, #tpu.memory_space<semaphore_mem>>
          %dma_wait3A_703 = arith.constant 0 : i32
          %dma_wait3A_704 = tpu.memref_slice %arg4[%mul3A_683, %mul3A_693, %dma_wait3A_703] <%multiple_of3A_691> : memref<4096x450x128xf32, #tpu.memory_space<hbm>> -> memref<1x?x128xf32, #tpu.memory_space<hbm>>
          %dma_wait3A_705 = arith.constant 0 : i32
          %dma_wait3A_706 = arith.constant 0 : i32
          %dma_wait3A_707 = arith.constant 0 : i32
          %dma_wait3A_708 = tpu.memref_slice %run_scoped3A_8[%rem3A_641, %dma_wait3A_705, %dma_wait3A_706, %dma_wait3A_707] <%multiple_of3A_691> : memref<2x1x256x128xf32, #tpu.memory_space<vmem>> -> memref<1x1x?x128xf32, #tpu.memory_space<vmem>>
          %dma_wait3A_709 = tpu.memref_squeeze %dma_wait3A_708 : memref<1x1x?x128xf32, #tpu.memory_space<vmem>> -> memref<1x?x128xf32, #tpu.memory_space<vmem>>
          tpu.wait_dma2 semaphore(%dma_wait3A_702 : memref<!tpu.dma_semaphore, #tpu.memory_space<semaphore_mem>>) src(%dma_wait3A_709 : memref<1x?x128xf32, #tpu.memory_space<vmem>>) dst(%dma_wait3A_704 : memref<1x?x128xf32, #tpu.memory_space<hbm>>)
          "tpu.trace_stop"() : () -> ()
        } else {
        }
        %and3A_620 = arith.constant true
        %and3A_621 = arith.andi %and3A_616, %and3A_620 : i1
        %add3A_622 = arith.constant 1 : i32
        %add3A_623 = arith.addi %scan3A_170, %add3A_622 : i32
        %select_n3A_624 = arith.select %and3A_621, %add3A_623, %scan3A_170 : i32
        %ne3A_625 = arith.cmpi ne, %add3A_176, %add3A_194 : i32
        %or3A_626 = arith.constant false
        %or3A_627 = arith.ori %or3A_626, %ne3A_625 : i1
        %or3A_628 = arith.ori %or3A_627, %eq3A_175 : i1
        %add3A_629 = arith.constant 1 : i32
        %add3A_630 = arith.addi %scan3A_168, %add3A_629 : i32
        %select_n3A_631 = arith.select %or3A_628, %add3A_630, %scan3A_168 : i32
        %add3A_632 = arith.constant 1 : i32
        %add3A_633 = arith.addi %scan3A_171, %add3A_632 : i32
        %select_n3A_634 = arith.constant true
        %select_n3A_635 = arith.select %select_n3A_634, %add3A_633, %scan3A_171 : i32
        %eq3A_636 = arith.constant 225 : i32
        %eq3A_637 = arith.cmpi eq, %select_n3A_635, %eq3A_636 : i32
        %select_n3A_638 = arith.constant 0 : i32
        %select_n3A_639 = arith.select %eq3A_637, %select_n3A_638, %select_n3A_635 : i32
        scf.yield %select_n3A_214, %select_n3A_631, %select_n3A_515, %select_n3A_624, %select_n3A_639 : i32, i32, i32, i32, i32
      }
      %scan3A_68 = arith.constant 225 : i32
      %sub3A = arith.constant 1 : i32
      %sub3A_69 = arith.subi %scan3A_67#4, %sub3A : i32
      %select_n3A_70 = arith.constant true
      %select_n3A_71 = arith.select %select_n3A_70, %sub3A_69, %scan3A_67#4 : i32
      %eq3A_72 = arith.constant -1 : i32
      %eq3A_73 = arith.cmpi eq, %select_n3A_71, %eq3A_72 : i32
      %select_n3A_74 = arith.constant 224 : i32
      %select_n3A_75 = arith.select %eq3A_73, %select_n3A_74, %select_n3A_71 : i32
      %add3A_76 = arith.addi %select_n3A_75, %mul3A_6 : i32
      %sub3A_77 = arith.constant 1 : i32
      %sub3A_78 = arith.subi %select_n3A_75, %sub3A_77 : i32
      %select_n3A_79 = arith.constant true
      %select_n3A_80 = arith.select %select_n3A_79, %sub3A_78, %select_n3A_75 : i32
      %eq3A_81 = arith.constant -1 : i32
      %eq3A_82 = arith.cmpi eq, %select_n3A_80, %eq3A_81 : i32
      %select_n3A_83 = arith.constant 224 : i32
      %select_n3A_84 = arith.select %eq3A_82, %select_n3A_83, %select_n3A_80 : i32
      %add3A_85 = arith.addi %select_n3A_84, %mul3A_6 : i32
      %add3A_86 = arith.constant 1 : i32
      %add3A_87 = arith.addi %select_n3A_75, %add3A_86 : i32
      %select_n3A_88 = arith.constant true
      %select_n3A_89 = arith.select %select_n3A_88, %add3A_87, %select_n3A_75 : i32
      %eq3A_90 = arith.constant 225 : i32
      %eq3A_91 = arith.cmpi eq, %select_n3A_89, %eq3A_90 : i32
      %select_n3A_92 = arith.constant 0 : i32
      %select_n3A_93 = arith.select %eq3A_91, %select_n3A_92, %select_n3A_89 : i32
      %add3A_94 = arith.addi %select_n3A_93, %mul3A_6 : i32
      %add3A_95 = arith.constant 1 : i32
      %add3A_96 = arith.addi %select_n3A_93, %add3A_95 : i32
      %select_n3A_97 = arith.constant true
      %select_n3A_98 = arith.select %select_n3A_97, %add3A_96, %select_n3A_93 : i32
      %eq3A_99 = arith.constant 225 : i32
      %eq3A_100 = arith.cmpi eq, %select_n3A_98, %eq3A_99 : i32
      %select_n3A_101 = arith.constant 0 : i32
      %select_n3A_102 = arith.select %eq3A_100, %select_n3A_101, %select_n3A_98 : i32
      %add3A_103 = arith.addi %select_n3A_102, %mul3A_6 : i32
      "tpu.trace_start"() <{level = 10 : i32, message = "ep_finalize"}> : () -> ()
      %rem3A_104 = arith.constant 2 : i32
      %rem3A_105 = arith.remui %scan3A_67#3, %rem3A_104 : i32
      %jit3A = arith.constant 1 : i32
      %div3A = arith.divsi %add3A_76, %jit3A : i32
      %sign3A = arith.constant 0 : i32
      %sign3A_106 = arith.cmpi sgt, %add3A_76, %sign3A : i32
      %sign3A_107 = arith.extui %sign3A_106 : i1 to i32
      %sign3A_108 = arith.constant 0 : i32
      %sign3A_109 = arith.cmpi slt, %add3A_76, %sign3A_108 : i32
      %sign3A_110 = arith.extui %sign3A_109 : i1 to i32
      %sign3A_111 = arith.subi %sign3A_107, %sign3A_110 : i32
      %sign3A_112 = arith.constant 0 : i32
      %sign3A_113 = arith.cmpi sgt, %jit3A, %sign3A_112 : i32
      %sign3A_114 = arith.extui %sign3A_113 : i1 to i32
      %sign3A_115 = arith.constant 0 : i32
      %sign3A_116 = arith.cmpi slt, %jit3A, %sign3A_115 : i32
      %sign3A_117 = arith.extui %sign3A_116 : i1 to i32
      %sign3A_118 = arith.subi %sign3A_114, %sign3A_117 : i32
      %ne3A = arith.cmpi ne, %sign3A_111, %sign3A_118 : i32
      %rem3A_119 = arith.remsi %add3A_76, %jit3A : i32
      %ne3A_120 = arith.constant 0 : i32
      %ne3A_121 = arith.cmpi ne, %rem3A_119, %ne3A_120 : i32
      %and3A = arith.andi %ne3A, %ne3A_121 : i1
      %sub3A_122 = arith.constant 1 : i32
      %sub3A_123 = arith.subi %div3A, %sub3A_122 : i32
      %select_n3A_124 = arith.select %and3A, %sub3A_123, %div3A : i32
      %jit3A_125 = arith.constant 1 : i32
      %eq3A_126 = arith.constant 0 : i32
      %eq3A_127 = arith.cmpi eq, %jit3A_125, %eq3A_126 : i32
      %jit3A_128 = arith.constant 1 : i32
      %select_n3A_129 = arith.select %eq3A_127, %jit3A_128, %jit3A_125 : i32
      %rem3A_130 = arith.remsi %add3A_76, %select_n3A_129 : i32
      %ne3A_131 = arith.constant 0 : i32
      %ne3A_132 = arith.cmpi ne, %rem3A_130, %ne3A_131 : i32
      %lt3A = arith.constant 0 : i32
      %lt3A_133 = arith.cmpi slt, %rem3A_130, %lt3A : i32
      %lt3A_134 = arith.constant 0 : i32
      %lt3A_135 = arith.cmpi slt, %select_n3A_129, %lt3A_134 : i32
      %ne3A_136 = arith.xori %lt3A_133, %lt3A_135 : i1
      %and3A_137 = arith.andi %ne3A_136, %ne3A_132 : i1
      %add3A_138 = arith.addi %rem3A_130, %select_n3A_129 : i32
      %select_n3A_139 = arith.select %and3A_137, %add3A_138, %rem3A_130 : i32
      %mul3A_140 = arith.constant 1 : i32
      %mul3A_141 = arith.muli %mul3A_140, %select_n3A_124 : i32
      %mul3A_142 = arith.constant 256 : i32
      %mul3A_143 = arith.muli %mul3A_142, %select_n3A_139 : i32
      %eq3A_144 = arith.constant 1 : i32
      %eq3A_145 = arith.cmpi eq, %select_n3A_139, %eq3A_144 : i32
      %jit3A_146 = arith.constant 200 : i32
      %jit3A_147 = arith.constant 256 : i32
      %select_n3A_148 = arith.select %eq3A_145, %jit3A_146, %jit3A_147 : i32
      %multiple_of3A = tpu.assume_multiple %select_n3A_148, 8 : i32
      %mul3A_149 = arith.constant 256 : i32
      %mul3A_150 = arith.muli %select_n3A_139, %mul3A_149 : i32
      %dma_wait3A = arith.constant 0 : i32
      %dma_wait3A_151 = arith.constant 0 : i32
      %dma_wait3A_152 = arith.constant 0 : i32
      %dma_wait3A_153 = tpu.memref_slice %run_scoped3A_8[%rem3A_105, %dma_wait3A, %dma_wait3A_151, %dma_wait3A_152] <%multiple_of3A> : memref<2x1x256x128xf32, #tpu.memory_space<vmem>> -> memref<1x1x?x128xf32, #tpu.memory_space<vmem>>
      %dma_wait3A_154 = tpu.memref_squeeze %dma_wait3A_153 : memref<1x1x?x128xf32, #tpu.memory_space<vmem>> -> memref<1x?x128xf32, #tpu.memory_space<vmem>>
      %dma_wait3A_155 = arith.constant 0 : i32
      %dma_wait3A_156 = tpu.memref_slice %arg4[%mul3A_141, %mul3A_150, %dma_wait3A_155] <%multiple_of3A> : memref<4096x450x128xf32, #tpu.memory_space<hbm>> -> memref<1x?x128xf32, #tpu.memory_space<hbm>>
      %dma_wait3A_157 = tpu.memref_slice %run_scoped3A_9[%rem3A_105] : memref<2x!tpu.dma_semaphore, #tpu.memory_space<semaphore_mem>> -> memref<1x!tpu.dma_semaphore, #tpu.memory_space<semaphore_mem>>
      %dma_wait3A_158 = tpu.memref_squeeze %dma_wait3A_157 : memref<1x!tpu.dma_semaphore, #tpu.memory_space<semaphore_mem>> -> memref<!tpu.dma_semaphore, #tpu.memory_space<semaphore_mem>>
      %dma_wait3A_159 = arith.constant 0 : i32
      %dma_wait3A_160 = tpu.memref_slice %arg4[%mul3A_141, %mul3A_150, %dma_wait3A_159] <%multiple_of3A> : memref<4096x450x128xf32, #tpu.memory_space<hbm>> -> memref<1x?x128xf32, #tpu.memory_space<hbm>>
      %dma_wait3A_161 = arith.constant 0 : i32
      %dma_wait3A_162 = arith.constant 0 : i32
      %dma_wait3A_163 = arith.constant 0 : i32
      %dma_wait3A_164 = tpu.memref_slice %run_scoped3A_8[%rem3A_105, %dma_wait3A_161, %dma_wait3A_162, %dma_wait3A_163] <%multiple_of3A> : memref<2x1x256x128xf32, #tpu.memory_space<vmem>> -> memref<1x1x?x128xf32, #tpu.memory_space<vmem>>
      %dma_wait3A_165 = tpu.memref_squeeze %dma_wait3A_164 : memref<1x1x?x128xf32, #tpu.memory_space<vmem>> -> memref<1x?x128xf32, #tpu.memory_space<vmem>>
      tpu.wait_dma2 semaphore(%dma_wait3A_158 : memref<!tpu.dma_semaphore, #tpu.memory_space<semaphore_mem>>) src(%dma_wait3A_165 : memref<1x?x128xf32, #tpu.memory_space<vmem>>) dst(%dma_wait3A_160 : memref<1x?x128xf32, #tpu.memory_space<hbm>>)
      "tpu.trace_stop"() : () -> ()
      tpu.yield
    }) : () -> ()
    return
  }
}

module attributes {stable_mosaic.version = 14 : i64} {
  func.func @_tab_kernel(%arg0: memref<10x64xf32, #tpu.memory_space<vmem>>, %arg1: memref<900x64xf32, #tpu.memory_space<vmem>>, %arg2: memref<1x64xf32, #tpu.memory_space<vmem>>, %arg3: memref<1x64xf32, #tpu.memory_space<vmem>>, %arg4: memref<900x10x64xf32, #tpu.memory_space<vmem>>) attributes {dimension_semantics = [], scalar_prefetch = 0 : i64, scratch_operands = 0 : i64, tpu.core_type = #tpu.core_type<tc>} {
    %get3A = arith.constant 0 : index
    %get3A_0 = arith.constant 0 : index
    %get3A_1 = vector.load %arg0[%get3A, %get3A_0] : memref<10x64xf32, #tpu.memory_space<vmem>>, vector<10x64xf32>
    %get3A_2 = arith.constant 0 : index
    %get3A_3 = arith.constant 0 : index
    %get3A_4 = vector.load %arg1[%get3A_2, %get3A_3] : memref<900x64xf32, #tpu.memory_space<vmem>>, vector<900x64xf32>
    %broadcast_in_dim3A = vector.shape_cast %get3A_4 : vector<900x64xf32> to vector<900x1x64xf32>
    %broadcast_in_dim3A_5 = vector.shape_cast %get3A_1 : vector<10x64xf32> to vector<1x10x64xf32>
    %add3A = vector.broadcast %broadcast_in_dim3A : vector<900x1x64xf32> to vector<900x10x64xf32>
    %add3A_6 = vector.broadcast %broadcast_in_dim3A_5 : vector<1x10x64xf32> to vector<900x10x64xf32>
    %add3A_7 = arith.addf %add3A, %add3A_6 : vector<900x10x64xf32>
    %reduce_sum3A = arith.constant dense<0.000000e+00> : vector<900x10xf32>
    %reduce_sum3A_8 = vector.multi_reduction <add>, %add3A_7, %reduce_sum3A [2] : vector<900x10x64xf32> to vector<900x10xf32>
    %broadcast_in_dim3A_9 = vector.shape_cast %reduce_sum3A_8 : vector<900x10xf32> to vector<900x10x1xf32>
    %div3A = arith.constant 6.400000e+01 : f32
    %div3A_10 = vector.broadcast %div3A : f32 to vector<900x10x1xf32>
    %div3A_11 = arith.divf %broadcast_in_dim3A_9, %div3A_10 : vector<900x10x1xf32>
    %sub3A = vector.broadcast %div3A_11 : vector<900x10x1xf32> to vector<900x10x64xf32>
    %sub3A_12 = arith.subf %add3A_7, %sub3A : vector<900x10x64xf32>
    %mul3A = arith.mulf %sub3A_12, %sub3A_12 : vector<900x10x64xf32>
    %reduce_sum3A_13 = arith.constant dense<0.000000e+00> : vector<900x10xf32>
    %reduce_sum3A_14 = vector.multi_reduction <add>, %mul3A, %reduce_sum3A_13 [2] : vector<900x10x64xf32> to vector<900x10xf32>
    %broadcast_in_dim3A_15 = vector.shape_cast %reduce_sum3A_14 : vector<900x10xf32> to vector<900x10x1xf32>
    %div3A_16 = arith.constant 6.400000e+01 : f32
    %div3A_17 = vector.broadcast %div3A_16 : f32 to vector<900x10x1xf32>
    %div3A_18 = arith.divf %broadcast_in_dim3A_15, %div3A_17 : vector<900x10x1xf32>
    %add3A_19 = arith.constant 9.99999974E-6 : f32
    %add3A_20 = vector.broadcast %add3A_19 : f32 to vector<900x10x1xf32>
    %add3A_21 = arith.addf %div3A_18, %add3A_20 : vector<900x10x1xf32>
    %rsqrt3A = math.rsqrt %add3A_21 : vector<900x10x1xf32>
    %mul3A_22 = vector.broadcast %rsqrt3A : vector<900x10x1xf32> to vector<900x10x64xf32>
    %mul3A_23 = arith.mulf %sub3A_12, %mul3A_22 : vector<900x10x64xf32>
    %get3A_24 = arith.constant 0 : index
    %get3A_25 = arith.constant 0 : index
    %get3A_26 = vector.load %arg2[%get3A_24, %get3A_25] : memref<1x64xf32, #tpu.memory_space<vmem>>, vector<1x64xf32>
    %get3A_27 = vector.shape_cast %get3A_26 : vector<1x64xf32> to vector<64xf32>
    %broadcast_in_dim3A_28 = vector.shape_cast %get3A_27 : vector<64xf32> to vector<1x1x64xf32>
    %mul3A_29 = vector.broadcast %broadcast_in_dim3A_28 : vector<1x1x64xf32> to vector<900x10x64xf32>
    %mul3A_30 = arith.mulf %mul3A_23, %mul3A_29 : vector<900x10x64xf32>
    %get3A_31 = arith.constant 0 : index
    %get3A_32 = arith.constant 0 : index
    %get3A_33 = vector.load %arg3[%get3A_31, %get3A_32] : memref<1x64xf32, #tpu.memory_space<vmem>>, vector<1x64xf32>
    %get3A_34 = vector.shape_cast %get3A_33 : vector<1x64xf32> to vector<64xf32>
    %broadcast_in_dim3A_35 = vector.shape_cast %get3A_34 : vector<64xf32> to vector<1x1x64xf32>
    %add3A_36 = vector.broadcast %broadcast_in_dim3A_35 : vector<1x1x64xf32> to vector<900x10x64xf32>
    %add3A_37 = arith.addf %mul3A_30, %add3A_36 : vector<900x10x64xf32>
    %swap3A = arith.constant 0 : index
    %swap3A_38 = arith.constant 0 : index
    %swap3A_39 = arith.constant 0 : index
    %swap3A_40 = vector.load %arg4[%swap3A, %swap3A_38, %swap3A_39] : memref<900x10x64xf32, #tpu.memory_space<vmem>>, vector<900x10x64xf32>
    tpu.vector_store %arg4[%swap3A, %swap3A_38, %swap3A_39], %add3A_37 {strides = array<i32>} : memref<900x10x64xf32, #tpu.memory_space<vmem>>, vector<900x10x64xf32>,
    return
  }
}

</mosaic_0001>

<sc_bundles>
// kernel: kernel.4.cloned.1.call-start
scs
__scs_entry_jumppad:
0x0: {  	(pc) =	sbr.rel $0x88, $3  }
0x1: {  	(tag) =	ssettag $0x0;
	lr =	simm.s32 $0x1  }
0x2: {  	[smem:$0x3F9C] =	sst lr;
	_ =	strace $0xD0000000  }
0x3: {  	_ = 	snop  }
0x4: {  	_ = 	snop  }
0x5: {  	_ = 	snop  }
0x6: {  	_ = 	snop  }
0x7: {  	_ = 	snop  }
__scs_overlays_trampoline_lowered:
0x8: {  	[smem:$0x3FAB] =	sst s0  }
0x9: {  	[smem:$0x3FAC] =	sst s1  }
0xa: {  	[smem:$0x3FAD] =	sst s2  }
0xb: {  	[smem:$0x3FAE] =	sst s3  }
0xc: {  	[smem:$0x3FAF] =	sst s4  }
0xd: {  	[smem:$0x3FB0] =	sst s5  }
0xe: {  	[smem:$0x3FB1] =	sst s6  }
0xf: {  	[smem:$0x3FB2] =	sst s7  }
0x10: {  	[smem:$0x3FB3] =	sst s8  }
0x11: {  	[smem:$0x3FB4] =	sst s9;
	s0 =	simm.s32 @!p0 $0x0  }
0x12: {  	s1 =	sld [smem:$0x3F9A];
	s0 =	simm.s32 @p0 $0x1  }
0x13: {  	[smem:$0x3FB5] =	sst s0;
	s0 =	simm.s32 @!p1 $0x0  }
0x14: {  	s2 =	sld [smem:$0x3F99];
	s0 =	simm.s32 @p1 $0x1  }
0x15: {  	[smem:$0x3FB6] =	sst s0;
	s0 =	simm.s32 @!p2 $0x0  }
0x16: {  	s3 =	sld [smem:$0x3FDB];
	s0 =	simm.s32 @p2 $0x1  }
0x17: {  	s4 =	simm.s32 $0x1BF5;
	[smem:$0x3FB8] =	sst s0  }
0x18: {  	s0 =	sld [smem:$0x3F9B];
	_ =	swait.ge [sflag:s4], $0x0  }
0x19: {  	s7 =	sld [smem:$0x3F9C]  }
0x1a: {  	s8 =	sadd.s32 $0xFFFFE003, lr  }
0x1b: {  	s9 =	sadd.s32 $0xFFFFFEF7, lr;
	s5 =	simm.s32 $0xFFFFFFFF;
	p2 =	slt.u32 s8, $0xFFFFF086  }
0x1c: {  	p1 =	slt.u32 s9, $0xF7A;
	s5 =	simm.s32 @!p2 $0x0  }
0x1d: {  	s5 =	simm.s32 @p1 $0x1;
	p0 =	seq.s32 s7, s2  }
0x1e: {  	s7 =	smul.u32 @!p0 $0xF7A, s2;
	p2 =	seq.s32 @!p0 s5, $0x0  }
0x1f: {  	s9 =	smul.u32 $0xF7A, s1;
	s8 =	simm.s32 @!p0 $0x1BF5;
	p2 =	por !p2, p0  }
0x20: {  	[sflag:s8] =	ssyncset.s32 @!p0 $0xFFFFF086;
	s6 =	sadd.s32 @!p0 s3, s7;
	s7 =	simm.s32 @!p0 $0x108  }
0x21: {  	s3 =	sadd.s32 s3, s9;
	s6 =	sadd.s32 @!p0 $0x88, s6;
	s7 =	simm.s32 @p2 $0x1082  }
0x22: {  	[simem:s7], [sflag:s8] =	dma.local @!p0 [hbm:s6], $0xF7A  }
0x23: {  	s9 =	sor.u32 $0xD0000000, s2;
	s6 =	simm.s32 $0x108;
	_ =	swait.ge @!p0 [sflag:s8], $0x0  }
0x24: {  	s3 =	sadd.s32 $0x88, s3;
	s6 =	simm.s32 @!p1 $0x1082;
	[sflag:s4] =	ssyncset.s32 $0xFFFFF086  }
0x25: {  	[simem:s6], [sflag:s4] =	dma.local [hbm:s3], $0xF7A  }
0x26: {  	[smem:$0x3F9C] =	sst s1;
	(tag) =	ssettag s2;
	_ =	strace s9  }
0x27: {  	s1 =	sld [smem:$0x3FAC]  }
0x28: {  	s2 =	sld [smem:$0x3FAD]  }
0x29: {  	s4 =	sld [smem:$0x3FAF]  }
0x2a: {  	p0 =	seq.s32 s5, $0x0;
	s5 =	sld [smem:$0x3FB0]  }
0x2b: {  	s6 =	sld [smem:$0x3FB1]  }
0x2c: {  	s7 =	sld [smem:$0x3FB2]  }
0x2d: {  	s3 =	simm.s32 $0x108;
	s8 =	sld [smem:$0x3FB3]  }
0x2e: {  	s3 =	simm.s32 @!p0 $0x1082;
	s9 =	sld [smem:$0x3FB4]  }
0x2f: {  	lr =	sadd.s32 s0, s3;
	s0 =	sld [smem:$0x3FAB]  }
0x30: {  	s3 =	sld [smem:$0x3FAE]  }
0x31: {  	[smem:$0x3FB7] =	sst s10  }
0x32: {  	s10 =	sld [smem:$0x3FB5];
	_ =	sdelay $0x3  }
0x33: {  	p0 =	seq.s32 s10, $0x1;
	s10 =	sld [smem:$0x3FB7];
	_ =	sdelay $0x3  }
0x34: {  	[smem:$0x3FB7] =	sst s10  }
0x35: {  	s10 =	sld [smem:$0x3FB6];
	_ =	sdelay $0x3  }
0x36: {  	p1 =	seq.s32 s10, $0x1;
	s10 =	sld [smem:$0x3FB7];
	_ =	sdelay $0x3  }
0x37: {  	[smem:$0x3FB7] =	sst s10  }
0x38: {  	s10 =	sld [smem:$0x3FB8]  }
0x39: {  	_ = 	snop;
	(pc) =	sbr.ind lr, $3  }
0x3a: {  	_ = 	snop  }
0x3b: {  	_ = 	snop  }
0x3c: {  	p2 =	seq.s32 s10, $0x1;
	s10 =	sld [smem:$0x3FB7]  }
0x3d: {  	_ =	shalt  }
0x3e: {  	_ =	shalt  }
0x3f: {  	_ =	shalt  }
0x40: {  	_ =	shalt  }
0x41: {  	_ =	shalt  }
0x42: {  	_ =	shalt  }
0x43: {  	_ =	shalt  }
0x44: {  	_ =	shalt  }
0x45: {  	_ =	shalt  }
0x46: {  	_ =	shalt  }
0x47: {  	_ =	shalt  }
0x48: {  	_ =	shalt  }
0x49: {  	_ =	shalt  }
0x4a: {  	_ =	shalt  }
0x4b: {  	_ =	shalt  }
0x4c: {  	_ =	shalt  }
0x4d: {  	_ =	shalt  }
0x4e: {  	_ =	shalt  }
0x4f: {  	_ =	shalt  }
0x50: {  	_ =	shalt  }
0x51: {  	_ =	shalt  }
0x52: {  	_ =	shalt  }
0x53: {  	_ =	shalt  }
0x54: {  	_ =	shalt  }
0x55: {  	_ =	shalt  }
0x56: {  	_ =	shalt  }
0x57: {  	_ =	shalt  }
0x58: {  	_ =	shalt  }
0x59: {  	_ =	shalt  }
0x5a: {  	_ =	shalt  }
0x5b: {  	_ =	shalt  }
0x5c: {  	_ =	shalt  }
0x5d: {  	_ =	shalt  }
0x5e: {  	_ =	shalt  }
0x5f: {  	_ =	shalt  }
0x60: {  	_ =	shalt  }
0x61: {  	_ =	shalt  }
0x62: {  	_ =	shalt  }
0x63: {  	_ =	shalt  }
0x64: {  	_ =	shalt  }
0x65: {  	_ =	shalt  }
0x66: {  	_ =	shalt  }
0x67: {  	_ =	shalt  }
0x68: {  	_ =	shalt  }
0x69: {  	_ =	shalt  }
0x6a: {  	_ =	shalt  }
0x6b: {  	_ =	shalt  }
0x6c: {  	_ =	shalt  }
0x6d: {  	_ =	shalt  }
0x6e: {  	_ =	shalt  }
0x6f: {  	_ =	shalt  }
0x70: {  	_ =	shalt  }
0x71: {  	_ =	shalt  }
0x72: {  	_ =	shalt  }
0x73: {  	_ =	shalt  }
0x74: {  	_ =	shalt  }
0x75: {  	_ =	shalt  }
0x76: {  	_ =	shalt  }
0x77: {  	_ =	shalt  }
0x78: {  	_ =	shalt  }
0x79: {  	_ =	shalt  }
0x7a: {  	_ =	shalt  }
0x7b: {  	_ =	shalt  }
0x7c: {  	_ =	shalt  }
0x7d: {  	_ =	shalt  }
0x7e: {  	_ =	shalt  }
0x7f: {  	_ =	shalt  }
0x80: {  	_ =	shalt  }
0x81: {  	_ =	shalt  }
0x82: {  	_ =	shalt  }
0x83: {  	_ =	shalt  }
0x84: {  	_ =	shalt  }
0x85: {  	_ =	shalt  }
0x86: {  	_ =	shalt  }
0x87: {  	_ =	shalt  }
.Lfunc_end0:
.L_simem_size_0:
called_computation_lowered:
.L_overlay_start_0:
0x88: {  	s2 =	sld [smem:$0x3FD9]  }
0x89: {  	s3 =	sld [smem:$0x3FFE];
	_ =	sdelay $0x1  }
0x8a: {  	s1 =	srdreg.scid  }
0x8b: {  	s0 =	sand.u32 $0x1, s1  }
0x8c: {  	s17 =	sshll.u32 s0, $0xA;
	s2 =	sadd.s32 s3, s2  }
0x8d: {  	s2 =	sadd.s32 s2, s17  }
0x8e: {  	[smem:$0x3FC3] =	sst s2  }
0x8f: {  	_ = 	snop  }
0x90: {  	s2 =	sld [smem:$0x3FD0];
	(tm) =	ssettm $0x1  }
0x91: {  	s18 =	sld [smem:$0x3FFB];
	_ =	sdelay $0x3  }
0x92: {  	_ =	strace s18  }
0x93: {  	s3 =	sld [smem:$0x3FFC];
	_ =	sdelay $0x3  }
0x94: {  	_ =	strace s3  }
0x95: {  	s3 =	sld [smem:$0x3FFD];
	_ =	sdelay $0x3  }
0x96: {  	_ =	strace s3  }
0x97: {  	_ =	strace $0x8FFFFFFF  }
0x98: {  	s19 =	sld [smem:$0x3FDB];
	_ =	sdelay $0x1  }
0x99: {  	s4 =	simm.s32 $_scs_section_size  }
0x9a: {  	s5 =	simm.s32 $_size__tile_overlayer_lowered;
	s6 =	simm.s32 $_tile_overlayer_lowered  }
0x9b: {  	s22 =	simm.s32 $0x1BFF;
	s21 =	sshll.u32 s6, $0x1;
	s3 =	sadd.s32 s4, s19  }
0x9c: {  	s7 =	simm.s32 $0x0;
	s20 =	sshll.u32 s5, $0x1;
	s5 =	sadd.s32 s21, s3  }
0x9d: {  	[timem:s7], [sflag:s22] =	dma.local [hbm:s5], s20  }
0x9e: {  	_ =	swait.ge [sflag:s22], s20  }
0x9f: {  	s4 =	ssub.s32 $0x0, s20;
	[sflag:s22] =	ssyncset.done $0x0  }
0xa0: {  	[sflag:s22] =	ssyncadd.s32 s4;
	_ =	sdelay $0x1  }
0xa1: {  	s23 =	simm.s32 $0x1B8B  }
0xa2: {  	_ =	swait.ge [sflag:s23], $0x1  }
0xa3: {  	[sflag:s23] =	ssyncset.done $0x0  }
0xa4: {  	s25 =	simm.s32 $0x1B8E;
	s24 =	sld [smem:$0x3FFE];
	[sflag:s23] =	ssyncadd.s32 $0xFFFFFFFF  }
0xa5: {  	s26 =	simm.s32 $execute0_lowered;
	[smem:$0x3FD2] =	sst s25  }
0xa6: {  	s5 =	sshll.u32 s26, $0x1;
	_ =	strace $0x80000046;
	[dreg:$0x1] =	wrdreg $0xFFFFFFFF  }
0xa7: {  	s28 =	simm.s32 $_size_execute0_lowered;
	s3 =	sadd.s32 s3, s5;
	[dreg:$0x0] =	wrdreg $0x0  }
0xa8: {  	s5 =	sshll.u32 s28, $0x1;
	[dreg:$0x2] =	wrdreg s3  }
0xa9: {  	[dreg:$0x3] =	wrdreg s5  }
0xaa: {  	[dreg:$0x4] =	wrdreg $0xC0  }
0xab: {  	_ =	task [dreg:s7], $0x5FFFF  }
0xac: {  	[dreg:$0x1] =	wrdreg $0xFFFFFFFF  }
0xad: {  	[dreg:$0x0] =	wrdreg $0x60  }
0xae: {  	[dreg:$0x2] =	wrdreg s2  }
0xaf: {  	[dreg:$0x3] =	wrdreg s24  }
0xb0: {  	[dreg:$0x4] =	wrdreg $0x9  }
0xb1: {  	_ =	task.clear_ibuf [dreg:s7], $0x5FFFF;
	_ =	strace $0x90000046  }
0xb2: {  	s29 =	simm.s32 $0x9;
	_ =	strace $0x8000004F  }
0xb3: {  	_ =	swait.ge [sflag:s29], $0x1  }
0xb4: {  	[sflag:s29] =	ssyncadd.s32 $0xFFFFFFFF  }
0xb5: {  	_ =	strace $0x9000004F  }
0xb6: {  	_ =	sfence  }
0xb7: {  	s30 =	sld [smem:$0x0];
	_ =	sdelay $0x2  }
0xb8: {  	s31 =	sshll.u32 s1, $0xD;
	s1 =	sshrl.u32 s1, $0x2  }
0xb9: {  	s3 =	sand.u32 $0x4000, s31;
	s1 =	sadd.s32 s1, s30  }
0xba: {  	s0 =	sor.u32 s3, s0;
	s1 =	sshll.u32 s1, $0x11  }
0xbb: {  	s0 =	sor.u32 s1, s0  }
0xbc: {  	s0 =	sadd.s32 $0x8F2B, s0  }
0xbd: {  	[sflag:s0] =	ssyncadd.remote.s32 $0x1  }
0xbe: {  	_ =	sfence.sel $0xFFFF  }
0xbf: {  	[dreg:$0x0] =	wrdreg $0xFFFFFFFF;
	(pc) =	sbr.abs _section_cstart, $3  }
0xc0: {  	[dreg:$0x1] =	wrdreg $0xFFFFFFFF  }
0xc1: {  	_ =	task.clear_ibuf [dreg:s7], $0x2FFFF;
	_ =	strace $0x9FFFFFFF  }
0xc2: {  	(tm) =	ssettm $0x7FFFFFFF  }
0xc3: {  	_ =	shalt  }
tec
execute0_lowered:
.L_overlay_start_1:
0x0: {  	(tag) =	ssettag $0x1  }
0x1: {  	s0 =	rddreg [dreg:$0x0]  }
0x2: {  	s3 =	rddreg [dreg:$0x1];
	s1 =	srdreg.scid  }
0x3: {  	s2 =	simm.s32 $0x0;
	s8 =	simm.s32 $0x100;
	[dreg:$0x3] =	wrdreg s0  }
0x4: {  	s9 =	simm.s32 $0x0;
	s0 =	rddreg [dreg:$0x2];
	s4 =	sand.u32 $0x1, s1  }
0x5: {  	[smem:$0x7FF] =	sst s2;
	s1 =	stileid.u32;
	s6 =	sadd.s32 $0x55400, s3  }
0x6: {  	s3 =	sadd.s32 $0x1D000, s3;
	s5 =	sshll.u32 s4, $0x4;
	_ =	strace $0x80000047  }
0x7: {  	s4 =	ssub.s32 $0x2, s4;
	[dreg:$0x5] =	wrdreg s6;
	s5 =	sor.u32 s1, s5  }
0x8: {  	[dreg:$0x4] =	wrdreg s8;
	s31 =	sshrl.u32 s4, $0x1;
	s7 =	smul.u32 $0x1C20, s5  }
0x9: {  	s8 =	simm.s32 $0x5;
	s6 =	ssub.s32 s4, s31;
	s4 =	smul.u32 $0xE1, s5  }
0xa: {  	s6 =	smax.u32 s6, $0x1;
	s5 =	sadd.s32 s3, s7;
	s7 =	simm.s32 $0x1  }
.LBB2_1:
0xb: {  	_ =	strace $0x80000048  }
0xc: {  	s12 =	simm.s32 $0x1;
	p0 =	por $0x0, $0x0;
	p4 =	por $0x1, $0x1  }
0xd: {  	s10 =	simm.s32 $0xE0;
	p2 =	por $0x1, $0x1;
	s11 =	sadd.s32 $0x0, s4  }
0xe: {  	s20 =	sand.u32 $0x1, s2;
	p5 =	por $0x0, $0x0;
	s18 =	simm.s32 $0x0  }
0xf: {  	[tilespmem:s2], [sflag:$0x1] =	stream.linear.gather [hbm4b:s5+s2], $0x100, $0x200038;
	[tilespmem:$0x10200] =	vst v63  }
0x10: {  	s22 =	simm.s32 $0x1;
	p6 =	por $0x1, $0x1;
	s12 =	simm.s32 @p0 $0x0  }
0x11: {  	s25 =	simm.s32 $0x1;
	p0 =	por p2, p2;
	p1 =	sne.s32 s12, $0x0  }
0x12: {  	s17 =	sadd.s32 $0x1, s20;
	s31 =	sshll.u32 s20, $0xF;
	p3 =	por !p4, !p1  }
0x13: {  	s18 =	sand.u32 $0x100, s18;
	p4 =	por $0x0, $0x0;
	p2 =	por !p3, !p3  }
0x14: {  	_ =	strace $0x90000048;
	p1 =	por p4, p1;
	s13 =	sadd.s32 @p2 s4, s12  }
0x15: {  	s14 =	smul.u32 @p1 $0xE400, s11;
	s11 =	sand.u32 @p2 $0x1, s7;
	s13 =	sshll.u32 @p2 s13, $0x5  }
0x16: {  	_ =	strace @p2 $0x80000049;
	s16 =	simm.s32 @p2 $0x0;
	s13 =	sand.u32 @p2 $0x1FFFFFE0, s13  }
0x17: {  	s15 =	sshll.u32 @p2 s11, $0x8;
	s11 =	sadd.s32 @p2 $0x1, s11;
	s13 =	sadd.s32 @p2 s3, s13  }
0x18: {  	[tilespmem:s15], [sflag:s11] =	stream.linear.gather @p2 [hbm4b:s13+s16], $0x100, $0x200038;
	[tilespmem:$0x10200] =	vst v63  }
0x19: {  	s23 =	sor.u32 $0x200, s31;
	p4 =	por $0x0, $0x0;
	_ =	strace @p2 $0x90000049  }
0x1a: {  	s11 =	simm.s32 $0x1;
	s15 =	simm.s32 $0xDF;
	_ =	strace $0x8000004A  }
0x1b: {  	s16 =	sshrl.u32 @p1 s14, $0x3;
	s13 =	sand.u32 @!p0 $0x1, s2;
	_ =	swait.ge [sflag:s17], $0x100  }
0x1c: {  	s14 =	simm.s32 $0x1;
	s11 =	simm.s32 @!p1 $0x0;
	[sflag:s17] =	ssyncset.done $0x0  }
0x1d: {  	p1 =	por p1, p1;
	s14 =	simm.s32 @!p2 $0x0;
	[sflag:s17] =	ssyncadd.s32 $0xFFFFFF00  }
0x1e: {  	p2 =	por p0, p0;
	s17 =	sadd.s32 $0x1, s12;
	_ =	strace $0x9000004A  }
0x1f: {  	p0 =	por p5, p5;
	p3 =	seq.s32 s17, $0xE1;
	_ =	strace $0x8000004B  }
0x20: {  	p5 =	por $0x0, $0x0;
	s17 =	simm.s32 @p3 $0x0;
	s19 =	rddreg [dreg:$0x3]  }
0x21: {  	s14 =	sadd.s32 $0x1, s14;
	s21 =	rddreg [dreg:$0x4];
	p3 =	sne.s32 s12, s17  }
0x22: {  	[tilespmem:s23], [sflag:$0x5] =	stream.indirect.gather [hbm4b:s19+s21], $0x80, s18, s21, $0x2000b8;
	[tilespmem:$0x10200] =	vst v63  }
0x23: {  	s22 =	simm.s32 @!p5 $0x0;
	s12 =	sadd.s32 s4, s12;
	p5 =	por !p6, !p3  }
0x24: {  	p3 =	por p4, p3;
	s19 =	simm.s32 $0x0;
	_ =	swait.ge [sflag:s8], $0x8000  }
0x25: {  	s18 =	simm.s32 $0x0;
	s24 =	smul.u32 @p3 $0xE400, s12;
	[sflag:s8] =	ssyncset.done $0x0  }
0x26: {  	s25 =	simm.s32 @!p3 $0x0;
	s12 =	simm.s32 $0x0;
	[sflag:s8] =	ssyncadd.s32 $0xFFFF8000  }
.LBB2_2:
0x27: {  	_ =	strace $0x9000004B;
	s12 =	sadd.s32 s22, s12;
	s22 =	smov.u32 s10  }
0x28: {  	s10 =	smov.u32 s15;
	s15 =	sadd.s32 $0xFFFFFFFF, s15;
	s21 =	smov.u32 s17  }
0x29: {  	s19 =	sadd.s32 s11, s19;
	s20 =	sadd.s32 @p1 $0x3, s20;
	s18 =	sadd.s32 s11, s18  }
0x2a: {  	s26 =	sshrl.u32 @p3 s24, $0x3;
	s28 =	sand.u32 @!p0 $0x1, s12;
	_ =	strace @p1 $0x8000004C  }
0x2b: {  	p6 =	seq.s32 s10, $0xE1;
	p4 =	sne.s32 s15, $0x0;
	s29 =	rddreg [dreg:$0x5]  }
0x2c: {  	s31 =	sshll.u32 s19, $0x8;
	s16 =	sadd.s32 @p1 s29, s16;
	s29 =	simm.s32 @p1 $0x0  }
0x2d: {  	[hbm4b:s16+s29] =	stream.linear.scatter @p1 [tilespmem:s23], [sflag:s20], $0x8000, $0x200038;
	[tilespmem:$0x10200] =	vst v63  }
0x2e: {  	s30 =	sand.u32 $0x1, s19;
	s24 =	sand.u32 $0x100, s31;
	s16 =	smov.u32 s26  }
0x2f: {  	s20 =	sadd.s32 @!p2 $0x3, s13;
	s13 =	smov.u32 s28;
	_ =	strace @p1 $0x9000004C  }
0x30: {  	p1 =	por p3, p3;
	p3 =	por !p5, !p5;
	_ =	strace @!p2 $0x8000004D  }
0x31: {  	s11 =	sand.u32 @p3 $0x1, s14;
	s23 =	sadd.s32 @p3 s4, s17;
	_ =	swait.ge @!p2 [sflag:s20], $0x8000  }
0x32: {  	s17 =	sadd.s32 $0x1, s17;
	s26 =	sshll.u32 @p3 s11, $0x8;
	[sflag:s20] =	ssyncset.done @!p2 $0x0  }
0x33: {  	s23 =	sshll.u32 @p3 s23, $0x5;
	p5 =	seq.s32 s17, $0xE1;
	[sflag:s20] =	ssyncadd.s32 @!p2 $0xFFFF8000  }
0x34: {  	s11 =	sadd.s32 @p3 $0x1, s11;
	s20 =	sand.u32 @p3 $0x1FFFFFE0, s23;
	_ =	strace @!p2 $0x9000004D  }
0x35: {  	s23 =	simm.s32 @p3 $0x0;
	s20 =	sadd.s32 @p3 s3, s20;
	_ =	strace @p3 $0x80000049  }
0x36: {  	[tilespmem:s26], [sflag:s11] =	stream.linear.gather @p3 [hbm4b:s20+s23], $0x100, $0x200038;
	[tilespmem:$0x10200] =	vst v63  }
0x37: {  	s28 =	sadd.s32 $0x1, s30;
	s17 =	simm.s32 @p5 $0x0;
	_ =	strace @p3 $0x90000049  }
0x38: {  	p2 =	por p0, p0;
	p0 =	por p6, p6;
	_ =	strace $0x8000004A  }
0x39: {  	p6 =	sne.s32 s22, $0xE1;
	s22 =	simm.s32 $0x1;
	_ =	swait.ge [sflag:s28], $0x100  }
0x3a: {  	p5 =	sne.s32 s10, $0x1;
	s22 =	simm.s32 @!p6 $0x0;
	[sflag:s28] =	ssyncset.done $0x0  }
0x3b: {  	p6 =	sne.s32 s21, s17;
	s20 =	simm.s32 $0x1;
	[sflag:s28] =	ssyncadd.s32 $0xFFFFFF00  }
0x3c: {  	s11 =	smov.u32 s25;
	s20 =	simm.s32 @!p3 $0x0;
	_ =	strace $0x9000004A  }
0x3d: {  	s14 =	sadd.s32 s20, s14;
	s20 =	sand.u32 $0x1, s18;
	_ =	strace $0x8000004B  }
0x3e: {  	p5 =	por !p5, !p6;
	s29 =	sshll.u32 s20, $0xF;
	s30 =	rddreg [dreg:$0x3]  }
.Ltmp0:
0x3f: {  	s23 =	sor.u32 $0x200, s29;
	s31 =	rddreg [dreg:$0x4];
	(pc) =	sbr.rel @p4 .LBB2_2-.Ltmp0, $4  }
0x40: {  	[tilespmem:s23], [sflag:$0x5] =	stream.indirect.gather [hbm4b:s30+s31], $0x80, s24, s31, $0x2000b8;
	[tilespmem:$0x10200] =	vst v63  }
0x41: {  	s25 =	simm.s32 $0x1;
	p3 =	seq.s32 s10, $0x1;
	_ =	swait.ge [sflag:s8], $0x8000  }
0x42: {  	p3 =	por p3, p6;
	s28 =	sadd.s32 s4, s21;
	[sflag:s8] =	ssyncset.done $0x0  }
0x43: {  	s25 =	simm.s32 @!p3 $0x0;
	s24 =	smul.u32 @p3 $0xE400, s28;
	[sflag:s8] =	ssyncadd.s32 $0xFFFF8000  }
0x44: {  	_ =	strace $0x9000004B  }
0x45: {  	_ =	strace @p1 $0x8000004C  }
0x46: {  	s15 =	rddreg [dreg:$0x5]  }
0x47: {  	s20 =	sadd.s32 @p1 $0x3, s20;
	s15 =	sadd.s32 @p1 s15, s16;
	s16 =	simm.s32 @p1 $0x0  }
0x48: {  	[hbm4b:s15+s16] =	stream.linear.scatter @p1 [tilespmem:s23], [sflag:s20], $0x8000, $0x200038;
	[tilespmem:$0x10200] =	vst v63  }
0x49: {  	_ =	strace @p1 $0x9000004C  }
0x4a: {  	s13 =	sadd.s32 @!p2 $0x3, s13;
	_ =	strace @!p2 $0x8000004D  }
0x4b: {  	s25 =	sadd.s32 s11, s19;
	p1 =	por !p5, !p5;
	_ =	swait.ge @!p2 [sflag:s13], $0x8000  }
0x4c: {  	s14 =	sand.u32 @p1 $0x1, s14;
	s16 =	sadd.s32 @p1 s4, s17;
	[sflag:s13] =	ssyncset.done @!p2 $0x0  }
0x4d: {  	s17 =	sshll.u32 @p1 s14, $0x8;
	s16 =	sshll.u32 @p1 s16, $0x5;
	[sflag:s13] =	ssyncadd.s32 @!p2 $0xFFFF8000  }
0x4e: {  	s13 =	sadd.s32 @p1 $0x1, s14;
	s14 =	sand.u32 @p1 $0x1FFFFFE0, s16;
	_ =	strace @!p2 $0x9000004D  }
0x4f: {  	s16 =	simm.s32 @p1 $0x0;
	s14 =	sadd.s32 @p1 s3, s14;
	_ =	strace @p1 $0x80000049  }
0x50: {  	[tilespmem:s17], [sflag:s13] =	stream.linear.gather @p1 [hbm4b:s14+s16], $0x100, $0x200038;
	[tilespmem:$0x10200] =	vst v63  }
0x51: {  	s26 =	sand.u32 $0x1, s25;
	_ =	strace @p1 $0x90000049  }
0x52: {  	s13 =	sadd.s32 $0x1, s26;
	_ =	strace $0x8000004A  }
0x53: {  	_ =	swait.ge [sflag:s13], $0x100  }
0x54: {  	[sflag:s13] =	ssyncset.done $0x0  }
0x55: {  	[sflag:s13] =	ssyncadd.s32 $0xFFFFFF00  }
0x56: {  	s28 =	sadd.s32 s11, s18;
	_ =	strace $0x9000004A  }
0x57: {  	s11 =	sand.u32 $0x1, s28;
	_ =	strace $0x8000004B  }
0x58: {  	s31 =	sshll.u32 s11, $0xF;
	s15 =	sshll.u32 s25, $0x8;
	s29 =	rddreg [dreg:$0x3]  }
0x59: {  	s15 =	sand.u32 $0x100, s15;
	s16 =	sor.u32 $0x200, s31;
	s30 =	rddreg [dreg:$0x4]  }
0x5a: {  	[tilespmem:s16], [sflag:$0x5] =	stream.indirect.gather [hbm4b:s29+s30], $0x80, s15, s30, $0x2000b8;
	[tilespmem:$0x10200] =	vst v63  }
0x5b: {  	_ =	swait.ge [sflag:s8], $0x8000  }
0x5c: {  	[sflag:s8] =	ssyncset.done $0x0  }
0x5d: {  	[sflag:s8] =	ssyncadd.s32 $0xFFFF8000  }
0x5e: {  	p1 =	por p3, p3;
	_ =	strace $0x9000004B  }
0x5f: {  	_ =	strace @p1 $0x8000004C  }
0x60: {  	s12 =	sadd.s32 s22, s12;
	s14 =	sshrl.u32 @p3 s24, $0x3;
	s13 =	rddreg [dreg:$0x5]  }
0x61: {  	s11 =	sadd.s32 @p1 $0x3, s11;
	s13 =	sadd.s32 @p1 s13, s14;
	s14 =	simm.s32 @p1 $0x0  }
0x62: {  	[hbm4b:s13+s14] =	stream.linear.scatter @p1 [tilespmem:s16], [sflag:s11], $0x8000, $0x200038;
	[tilespmem:$0x10200] =	vst v63  }
0x63: {  	s11 =	sand.u32 @!p0 $0x1, s12;
	p0 =	por p0, p0;
	_ =	strace @p1 $0x9000004C  }
0x64: {  	s11 =	sadd.s32 @!p0 $0x3, s11;
	_ =	strace @!p0 $0x8000004D  }
0x65: {  	p1 =	sne.s32 s10, $0xE1;
	s10 =	simm.s32 $0x1;
	_ =	swait.ge @!p0 [sflag:s11], $0x8000  }
0x66: {  	s10 =	simm.s32 @!p1 $0x0;
	[sflag:s11] =	ssyncset.done @!p0 $0x0  }
0x67: {  	s9 =	sadd.s32 $0x1, s9;
	s10 =	sadd.s32 s10, s12;
	[sflag:s11] =	ssyncadd.s32 @!p0 $0xFFFF8000  }
0x68: {  	s10 =	sand.u32 $0x1, s10;
	_ =	strace @!p0 $0x9000004D;
	p0 =	sne.s32 s9, s6  }
.Ltmp1:
0x69: {  	s10 =	sadd.s32 $0x3, s10;
	_ =	strace $0x8000004E;
	(pc) =	sbr.rel @p0 .LBB2_1-.Ltmp1, $4  }
0x6a: {  	_ =	swait.ge [sflag:s10], $0x8000  }
0x6b: {  	[sflag:s10] =	ssyncset.done $0x0  }
0x6c: {  	[sflag:s10] =	ssyncadd.s32 $0xFFFF8000  }
0x6d: {  	_ =	strace $0x9000004E  }
0x6e: {  	_ =	sfence.sel $0x180000  }
0x6f: {  	[bflag:$0x0] =	sbarrier.arrive $0xFFFF  }
0x70: {  	p0 =	sne.s32 s1, $0x0;
	_ =	strace $0x90000047  }
0x71: {  	s0 =	sadd.s32 @!p0 $0x100000, s0;
	[bflag:$0x2] =	sbarrier.arrive $0xFFFF  }
0x72: {  	[sflag:s0] =	ssyncadd.tile.s32 @!p0 $0x1;
	_ =	shalt  }
.Lfunc_end2:
_tile_overlayer_lowered:
.L_overlay_start_2:
0x73: {  	(tag) =	ssettag $0x2  }
0x74: {  	s0 =	rddreg [dreg:$0x0];
	s2 =	stileid.u32  }
0x75: {  	s1 =	rddreg [dreg:$0x1];
	p0 =	sne.s32 s2, $0x0  }
0x76: {  	s3 =	rddreg [dreg:$0x2];
	[bflag:$0x3] =	sbarrier.arrive $0xFFFF;
	s2 =	simm.s32 @!p0 $0x1C01  }
0x77: {  	[timem:s3], [sflag:s2] =	dma.local @!p0 [hbm:s0], s1  }
0x78: {  	s0 =	simm.s32 @!p0 $0x1  }
0x79: {  	_ =	swait.ge @!p0 [sflag:s0], s1  }
0x7a: {  	s1 =	ssub.s32 @!p0 $0x0, s1;
	[sflag:s0] =	ssyncset.done @!p0 $0x0  }
0x7b: {  	[sflag:s0] =	ssyncadd.s32 @!p0 s1  }
0x7c: {  	[bflag:$0x3] =	sbarrier.arrive $0xFFFF  }
0x7d: {  	_ =	shalt  }

</sc_bundles>
